<compile_context>
chip_gen: v7x
topology: tpu7x:2x2x1
jax: 0.10.2.dev20260603
libtpu: 0.0.44.dev20260713+nightly
codegen_flags: <defaults>
</compile_context>

<pallas_src>
import jax
import jax.numpy as jnp
from jax import lax
from jax.experimental import pallas as pl
from jax.experimental.pallas import tpu as pltpu
from jax.experimental.pallas import tpu_sc as plsc

VOCAB = 100000
D = 128
PAD_IDX = 0
CLS_IDX = 57255
SEP_IDX = 57256
EPS = 1e-12
B, L = 1024, 200
LP = 208
HALF = 104
NW = 32
ROWS_PER_W = B // NW
NJ = D // 16
NCHUNK = LP // 16
NPOS = 203
GROWS = (2 * VOCAB + D - 1) // D + 1


def _rsqrt16(x):
    i = lax.bitcast_convert_type(x, jnp.int32)
    i = jnp.int32(0x5F3759DF) - lax.shift_right_logical(i, 1)
    y = lax.bitcast_convert_type(i, jnp.float32)
    for _ in range(2):
        y = y * (1.5 - 0.5 * x * y * y)
    return y


def _sc_embed_body(ids_hbm, geo_hbm, tok_hbm, posf_hbm, par_hbm, out_hbm,
                   posc, par_v, idsA, idsB, gidx_v, pb_v, mf_v, co_v,
                   tok_v, grow_v, out_v, semA, isem, osem):
    def allsum(v):
        iota = jnp.arange(16, dtype=jnp.int32)
        for k in (8, 4, 2, 1):
            v = v + jnp.take(v, jnp.bitwise_xor(iota, jnp.int32(k)), axis=0)
        return v

    wid = lax.axis_index("s") * 2 + lax.axis_index("c")
    row0 = wid * ROWS_PER_W

    pltpu.sync_copy(posf_hbm.at[pl.ds(0, 201 * D)], posc.at[pl.ds(0, 201 * D)])
    pltpu.sync_copy(posf_hbm.at[pl.ds(511 * D, D)], posc.at[pl.ds(201 * D, D)])
    pltpu.sync_copy(posf_hbm.at[pl.ds(512 * D, D)], posc.at[pl.ds(202 * D, D)])
    pltpu.sync_copy(par_hbm, par_v)

    z16 = jnp.zeros((16,), jnp.int32)
    for ids_ref in (idsA, idsB):
        ids_ref[pl.ds(192, 16)] = z16

    W0 = [par_v[pl.ds(0 * D + 16 * j, 16)] for j in range(NJ)]
    W1 = [par_v[pl.ds(1 * D + 16 * j, 16)] for j in range(NJ)]
    bg = [par_v[pl.ds(2 * D + 16 * j, 16)] for j in range(NJ)]
    gam = [par_v[pl.ds(3 * D + 16 * j, 16)] for j in range(NJ)]
    bet = [par_v[pl.ds(4 * D + 16 * j, 16)] for j in range(NJ)]

    def do_row(rr, r, ids_v, ids_n, guard_first):
        gr = row0 + r
        nxt = row0 + jnp.minimum(r + 1, ROWS_PER_W - 1)
        pltpu.async_copy(ids_hbm.at[pl.ds(nxt * L, L)],
                         ids_n.at[pl.ds(0, L)], isem)

        for j in range(NCHUNK):
            gidx_v[pl.ds(j * 16, 16)] = lax.shift_right_logical(
                ids_v[pl.ds(j * 16, 16)], 6)

        cps = [
            pltpu.async_copy(tok_hbm.at[ids_v.at[pl.ds(0, HALF)]],
                             tok_v.at[pl.ds(0, HALF)], semA),
            pltpu.async_copy(tok_hbm.at[ids_v.at[pl.ds(HALF, HALF)]],
                             tok_v.at[pl.ds(HALF, HALF)], semA),
            pltpu.async_copy(geo_hbm.at[gidx_v.at[pl.ds(0, HALF)]],
                             grow_v.at[pl.ds(0, HALF)], semA),
            pltpu.async_copy(geo_hbm.at[gidx_v.at[pl.ds(HALF, HALF)]],
                             grow_v.at[pl.ds(HALF, HALF)], semA),
        ]

        z = jnp.zeros((16,), jnp.int32)
        zf = jnp.zeros((16,), jnp.float32)
        for j in range(NCHUNK):
            pb_v[pl.ds(j * 16, 16)] = z
            mf_v[pl.ds(j * 16, 16)] = zf
            co_v[pl.ds(j * 16, 16)] = z

        for cp in cps:
            cp.wait()

        if guard_first:
            @pl.when(rr > 0)
            def _():
                pltpu.make_async_copy(out_v.at[pl.ds(0, L)],
                                      out_hbm.at[pl.ds(0, L)], osem).wait()
        else:
            pltpu.make_async_copy(out_v.at[pl.ds(0, L)],
                                  out_hbm.at[pl.ds(0, L)], osem).wait()


        pltpu.async_copy(out_v.at[pl.ds(0, L)],
                         out_hbm.at[pl.ds(gr * L, L)], osem)
        pltpu.make_async_copy(ids_hbm.at[pl.ds(0, L)],
                              ids_n.at[pl.ds(0, L)], isem).wait()

    pltpu.sync_copy(ids_hbm.at[pl.ds(row0 * L, L)], idsA.at[pl.ds(0, L)])

    def iter_body(rr, carry0):
        do_row(rr, rr * 2, idsA, idsB, True)
        do_row(rr, rr * 2 + 1, idsB, idsA, False)
        return carry0

    lax.fori_loop(0, ROWS_PER_W // 2, iter_body, jnp.int32(0))

    pltpu.make_async_copy(out_v.at[pl.ds(0, L)],
                          out_hbm.at[pl.ds(0, L)], osem).wait()


_sc_embed = pl.kernel(
    _sc_embed_body,
    out_type=jax.ShapeDtypeStruct((B * L, D), jnp.float32),
    mesh=plsc.VectorSubcoreMesh(core_axis_name="c", subcore_axis_name="s"),
    scratch_types=[
        pltpu.VMEM((NPOS * D,), jnp.float32),
        pltpu.VMEM((5 * D,), jnp.float32),
        pltpu.VMEM((LP,), jnp.int32),
        pltpu.VMEM((LP,), jnp.int32),
        pltpu.VMEM((LP,), jnp.int32),
        pltpu.VMEM((LP,), jnp.int32),
        pltpu.VMEM((LP,), jnp.float32),
        pltpu.VMEM((LP,), jnp.int32),
        pltpu.VMEM((LP, D), jnp.float32),
        pltpu.VMEM((LP, D), jnp.float32),
        pltpu.VMEM((LP, D), jnp.float32),
        pltpu.SemaphoreType.DMA,
        pltpu.SemaphoreType.DMA,
        pltpu.SemaphoreType.DMA,
    ],
)


def kernel(input_ids, geo_dict, token_table, pos_table, W_geo, b_geo,
           ln_gamma, ln_beta):
    ids_flat = input_ids.reshape(-1)
    pos_flat = pos_table.reshape(-1)
    geo_pad = jnp.pad(geo_dict.reshape(-1),
                      (0, GROWS * D - 2 * VOCAB)).reshape(GROWS, D)
    params = jnp.concatenate([W_geo[:, 0], W_geo[:, 1], b_geo, ln_gamma, ln_beta])
    out = _sc_embed(ids_flat, geo_pad, token_table, pos_flat, params)
    return out.reshape(B, L, D)

# --- scband reference (transcript-rebuilt; emitter-appended) ---
"""Pipeline reference for scband-bertembedding-71760313581765 (READ-ONLY COPY).

The authoritative reference and input builder live on the scoring server;
editing this copy changes nothing except your own understanding.
"""

import jax, jax.numpy as jnp
import numpy as np

VOCAB = 100000
D_MODEL = 128
MAX_POS = 1024
PAD_IDX = 0
CLS_IDX = 57255
SEP_IDX = 57256
EPS = 1e-12
B, L = 1024, 200


def setup_inputs(seed: int = 0) -> dict:
    key = jax.random.key(seed)
    ks = jax.random.split(key, 8)
    input_ids = jax.random.randint(ks[0], (B, L), 0, VOCAB, dtype=jnp.int32)
    geo_dict = jax.random.uniform(ks[1], (VOCAB, 2), dtype=jnp.float32)
    token_table = 0.02 * jax.random.normal(ks[2], (VOCAB, D_MODEL), dtype=jnp.float32)
    token_table = token_table.at[PAD_IDX].set(0.0)  # padding_idx row zeroed like nn.Embedding
    pos_table = 0.02 * jax.random.normal(ks[3], (MAX_POS, D_MODEL), dtype=jnp.float32)
    pos_table = pos_table.at[PAD_IDX].set(0.0)
    lim = 1.0 / np.sqrt(2.0)
    W_geo = jax.random.uniform(ks[4], (D_MODEL, 2), dtype=jnp.float32, minval=-lim, maxval=lim)
    b_geo = jax.random.uniform(ks[5], (D_MODEL,), dtype=jnp.float32, minval=-lim, maxval=lim)
    ln_gamma = jnp.ones((D_MODEL,), dtype=jnp.float32)
    ln_beta = jnp.zeros((D_MODEL,), dtype=jnp.float32)
    return {"input_ids": input_ids, "geo_dict": geo_dict, "token_table": token_table,
            "pos_table": pos_table, "W_geo": W_geo, "b_geo": b_geo,
            "ln_gamma": ln_gamma, "ln_beta": ln_beta}


def _create_position_ids(input_ids, padding_idx=PAD_IDX, cls_idx=CLS_IDX, sep_idx=SEP_IDX, past_key_values_length=0):
    mask_pad = (input_ids != padding_idx).astype(jnp.int32)
    mask_cls = (input_ids != cls_idx).astype(jnp.int32)
    mask_sep = (input_ids != sep_idx).astype(jnp.int32)
    mask = mask_pad & mask_cls & mask_sep
    cls_indices = jnp.where(input_ids == cls_idx, 511, 0)
    sep_indices = jnp.where(input_ids == sep_idx, 512, 0)
    incremental = (jnp.cumsum(mask, axis=1) + past_key_values_length) * mask
    pids = incremental + cls_indices + sep_indices + padding_idx
    return pids.astype(jnp.int32), mask


def reference(input_ids, geo_dict, token_table, pos_table, W_geo, b_geo, ln_gamma, ln_beta):
    position_ids, valid_mask = _create_position_ids(input_ids)
    # token embedding (gather)
    inputs_embeds = jnp.take(token_table, input_ids, axis=0)
    # position embedding (gather)
    position_embeddings = jnp.take(pos_table, position_ids, axis=0)
    # geo lookup: [0,0] for pad/cls/sep, else geo_dict[node_id]
    geo_info = jnp.take(geo_dict, input_ids, axis=0) * valid_mask[..., None].astype(jnp.float32)
    geo_embeddings = geo_info @ W_geo.T + b_geo
    embeddings = inputs_embeds + position_embeddings
    embeddings = embeddings + geo_embeddings
    # LayerNorm (biased variance, like torch)
    mean = jnp.mean(embeddings, axis=-1, keepdims=True)
    var = jnp.mean(jnp.square(embeddings - mean), axis=-1, keepdims=True)
    normed = (embeddings - mean) / jnp.sqrt(var + EPS)
    out = normed * ln_gamma + ln_beta
    # dropout p=0.0 -> identity
    return out

if __name__ == "__main__":
    import jax
    _d = setup_inputs()
    print(jax.jit(kernel)(*tuple(_d.values())))

</pallas_src>

<mosaic_0001>
#map = affine_map<(d0, d1) -> (0)>
#map1 = affine_map<(d0, d1) -> (0, 0)>
module attributes {stable_mosaic.version = 14 : i64} {
  func.func @_sc_embed_body(%arg0: i32, %arg1: i32, %arg2: memref<204800xi32, #tpu.memory_space<hbm>>, %arg3: memref<1564x128xf32, #tpu.memory_space<hbm>>, %arg4: memref<100000x128xf32, #tpu.memory_space<hbm>>, %arg5: memref<131072xf32, #tpu.memory_space<hbm>>, %arg6: memref<640xf32, #tpu.memory_space<hbm>>, %arg7: memref<204800x128xf32, #tpu.memory_space<hbm>>, %arg8: memref<25984xf32, #tpu.memory_space<vmem>>, %arg9: memref<640xf32, #tpu.memory_space<vmem>>, %arg10: memref<208xi32, #tpu.memory_space<vmem>>, %arg11: memref<208xi32, #tpu.memory_space<vmem>>, %arg12: memref<208xi32, #tpu.memory_space<vmem>>, %arg13: memref<208xi32, #tpu.memory_space<vmem>>, %arg14: memref<208xf32, #tpu.memory_space<vmem>>, %arg15: memref<208xi32, #tpu.memory_space<vmem>>, %arg16: memref<208x128xf32, #tpu.memory_space<vmem>>, %arg17: memref<208x128xf32, #tpu.memory_space<vmem>>, %arg18: memref<208x128xf32, #tpu.memory_space<vmem>>, %arg19: memref<!tpu.dma_semaphore, #tpu.memory_space<semaphore_mem>>, %arg20: memref<!tpu.dma_semaphore, #tpu.memory_space<semaphore_mem>>, %arg21: memref<!tpu.dma_semaphore, #tpu.memory_space<semaphore_mem>>) attributes {dimension_semantics = [#tpu.dimension_semantics<core_parallel>, #tpu.dimension_semantics<subcore_parallel>], iteration_bounds = array<i64: 2, 16>, scalar_prefetch = 0 : i64, scratch_operands = 14 : i64, tpu.core_type = #tpu.core_type<sc_vector_subcore>, window_params = [{transform_indices = #map}, {transform_indices = #map1}, {transform_indices = #map1}, {transform_indices = #map}, {transform_indices = #map}, {transform_indices = #map1}]} {
    %mul3A = arith.constant 2 : i32
    %mul3A_0 = arith.muli %arg1, %mul3A : i32
    %add3A = arith.addi %mul3A_0, %arg0 : i32
    %mul3A_1 = arith.constant 32 : i32
    %mul3A_2 = arith.muli %add3A, %mul3A_1 : i32
    "tpu.region"() ({
      %run_scoped3A = tpu.sem_alloc : memref<!tpu.dma_semaphore, #tpu.memory_space<semaphore_mem>>
      %dma_start3A = arith.constant 0 : i32
      %dma_start3A_148 = tpu.memref_slice %arg8[%dma_start3A] : memref<25984xf32, #tpu.memory_space<vmem>> -> memref<25728xf32, #tpu.memory_space<vmem>>
      %dma_start3A_149 = arith.constant 0 : i32
      %dma_start3A_150 = tpu.memref_slice %arg5[%dma_start3A_149] : memref<131072xf32, #tpu.memory_space<hbm>> -> memref<25728xf32, #tpu.memory_space<hbm>>
      %dma_start3A_151 = arith.constant 0 : i32
      %dma_start3A_152 = tpu.memref_slice %arg8[%dma_start3A_151] : memref<25984xf32, #tpu.memory_space<vmem>> -> memref<25728xf32, #tpu.memory_space<vmem>>
      %dma_start3A_153 = arith.constant 0 : i32
      %dma_start3A_154 = tpu.memref_slice %arg5[%dma_start3A_153] : memref<131072xf32, #tpu.memory_space<hbm>> -> memref<25728xf32, #tpu.memory_space<hbm>>
      tpu.enqueue_dma source(%dma_start3A_154 : memref<25728xf32, #tpu.memory_space<hbm>>) target(%dma_start3A_152 : memref<25728xf32, #tpu.memory_space<vmem>>) target_semaphore(%run_scoped3A : memref<!tpu.dma_semaphore, #tpu.memory_space<semaphore_mem>>)
      %dma_wait3A_155 = arith.constant 0 : i32
      %dma_wait3A_156 = tpu.memref_slice %arg8[%dma_wait3A_155] : memref<25984xf32, #tpu.memory_space<vmem>> -> memref<25728xf32, #tpu.memory_space<vmem>>
      %dma_wait3A_157 = arith.constant 0 : i32
      %dma_wait3A_158 = tpu.memref_slice %arg5[%dma_wait3A_157] : memref<131072xf32, #tpu.memory_space<hbm>> -> memref<25728xf32, #tpu.memory_space<hbm>>
      %dma_wait3A_159 = arith.constant 0 : i32
      %dma_wait3A_160 = tpu.memref_slice %arg8[%dma_wait3A_159] : memref<25984xf32, #tpu.memory_space<vmem>> -> memref<25728xf32, #tpu.memory_space<vmem>>
      %dma_wait3A_161 = arith.constant 0 : i32
      %dma_wait3A_162 = tpu.memref_slice %arg5[%dma_wait3A_161] : memref<131072xf32, #tpu.memory_space<hbm>> -> memref<25728xf32, #tpu.memory_space<hbm>>
      tpu.wait_dma2 semaphore(%run_scoped3A : memref<!tpu.dma_semaphore, #tpu.memory_space<semaphore_mem>>) src(%dma_wait3A_162 : memref<25728xf32, #tpu.memory_space<hbm>>) dst(%dma_wait3A_160 : memref<25728xf32, #tpu.memory_space<vmem>>)
      tpu.yield
    }) : () -> ()
    "tpu.region"() ({
      %run_scoped3A = tpu.sem_alloc : memref<!tpu.dma_semaphore, #tpu.memory_space<semaphore_mem>>
      %dma_start3A = arith.constant 25728 : i32
      %dma_start3A_148 = tpu.memref_slice %arg8[%dma_start3A] : memref<25984xf32, #tpu.memory_space<vmem>> -> memref<128xf32, #tpu.memory_space<vmem>>
      %dma_start3A_149 = arith.constant 65408 : i32
      %dma_start3A_150 = tpu.memref_slice %arg5[%dma_start3A_149] : memref<131072xf32, #tpu.memory_space<hbm>> -> memref<128xf32, #tpu.memory_space<hbm>>
      %dma_start3A_151 = arith.constant 25728 : i32
      %dma_start3A_152 = tpu.memref_slice %arg8[%dma_start3A_151] : memref<25984xf32, #tpu.memory_space<vmem>> -> memref<128xf32, #tpu.memory_space<vmem>>
      %dma_start3A_153 = arith.constant 65408 : i32
      %dma_start3A_154 = tpu.memref_slice %arg5[%dma_start3A_153] : memref<131072xf32, #tpu.memory_space<hbm>> -> memref<128xf32, #tpu.memory_space<hbm>>
      tpu.enqueue_dma source(%dma_start3A_154 : memref<128xf32, #tpu.memory_space<hbm>>) target(%dma_start3A_152 : memref<128xf32, #tpu.memory_space<vmem>>) target_semaphore(%run_scoped3A : memref<!tpu.dma_semaphore, #tpu.memory_space<semaphore_mem>>)
      %dma_wait3A_155 = arith.constant 25728 : i32
      %dma_wait3A_156 = tpu.memref_slice %arg8[%dma_wait3A_155] : memref<25984xf32, #tpu.memory_space<vmem>> -> memref<128xf32, #tpu.memory_space<vmem>>
      %dma_wait3A_157 = arith.constant 65408 : i32
      %dma_wait3A_158 = tpu.memref_slice %arg5[%dma_wait3A_157] : memref<131072xf32, #tpu.memory_space<hbm>> -> memref<128xf32, #tpu.memory_space<hbm>>
      %dma_wait3A_159 = arith.constant 25728 : i32
      %dma_wait3A_160 = tpu.memref_slice %arg8[%dma_wait3A_159] : memref<25984xf32, #tpu.memory_space<vmem>> -> memref<128xf32, #tpu.memory_space<vmem>>
      %dma_wait3A_161 = arith.constant 65408 : i32
      %dma_wait3A_162 = tpu.memref_slice %arg5[%dma_wait3A_161] : memref<131072xf32, #tpu.memory_space<hbm>> -> memref<128xf32, #tpu.memory_space<hbm>>
      tpu.wait_dma2 semaphore(%run_scoped3A : memref<!tpu.dma_semaphore, #tpu.memory_space<semaphore_mem>>) src(%dma_wait3A_162 : memref<128xf32, #tpu.memory_space<hbm>>) dst(%dma_wait3A_160 : memref<128xf32, #tpu.memory_space<vmem>>)
      tpu.yield
    }) : () -> ()
    "tpu.region"() ({
      %run_scoped3A = tpu.sem_alloc : memref<!tpu.dma_semaphore, #tpu.memory_space<semaphore_mem>>
      %dma_start3A = arith.constant 25856 : i32
      %dma_start3A_148 = tpu.memref_slice %arg8[%dma_start3A] : memref<25984xf32, #tpu.memory_space<vmem>> -> memref<128xf32, #tpu.memory_space<vmem>>
      %dma_start3A_149 = arith.constant 65536 : i32
      %dma_start3A_150 = tpu.memref_slice %arg5[%dma_start3A_149] : memref<131072xf32, #tpu.memory_space<hbm>> -> memref<128xf32, #tpu.memory_space<hbm>>
      %dma_start3A_151 = arith.constant 25856 : i32
      %dma_start3A_152 = tpu.memref_slice %arg8[%dma_start3A_151] : memref<25984xf32, #tpu.memory_space<vmem>> -> memref<128xf32, #tpu.memory_space<vmem>>
      %dma_start3A_153 = arith.constant 65536 : i32
      %dma_start3A_154 = tpu.memref_slice %arg5[%dma_start3A_153] : memref<131072xf32, #tpu.memory_space<hbm>> -> memref<128xf32, #tpu.memory_space<hbm>>
      tpu.enqueue_dma source(%dma_start3A_154 : memref<128xf32, #tpu.memory_space<hbm>>) target(%dma_start3A_152 : memref<128xf32, #tpu.memory_space<vmem>>) target_semaphore(%run_scoped3A : memref<!tpu.dma_semaphore, #tpu.memory_space<semaphore_mem>>)
      %dma_wait3A_155 = arith.constant 25856 : i32
      %dma_wait3A_156 = tpu.memref_slice %arg8[%dma_wait3A_155] : memref<25984xf32, #tpu.memory_space<vmem>> -> memref<128xf32, #tpu.memory_space<vmem>>
      %dma_wait3A_157 = arith.constant 65536 : i32
      %dma_wait3A_158 = tpu.memref_slice %arg5[%dma_wait3A_157] : memref<131072xf32, #tpu.memory_space<hbm>> -> memref<128xf32, #tpu.memory_space<hbm>>
      %dma_wait3A_159 = arith.constant 25856 : i32
      %dma_wait3A_160 = tpu.memref_slice %arg8[%dma_wait3A_159] : memref<25984xf32, #tpu.memory_space<vmem>> -> memref<128xf32, #tpu.memory_space<vmem>>
      %dma_wait3A_161 = arith.constant 65536 : i32
      %dma_wait3A_162 = tpu.memref_slice %arg5[%dma_wait3A_161] : memref<131072xf32, #tpu.memory_space<hbm>> -> memref<128xf32, #tpu.memory_space<hbm>>
      tpu.wait_dma2 semaphore(%run_scoped3A : memref<!tpu.dma_semaphore, #tpu.memory_space<semaphore_mem>>) src(%dma_wait3A_162 : memref<128xf32, #tpu.memory_space<hbm>>) dst(%dma_wait3A_160 : memref<128xf32, #tpu.memory_space<vmem>>)
      tpu.yield
    }) : () -> ()
    "tpu.region"() ({
      %run_scoped3A = tpu.sem_alloc : memref<!tpu.dma_semaphore, #tpu.memory_space<semaphore_mem>>
      tpu.enqueue_dma source(%arg6 : memref<640xf32, #tpu.memory_space<hbm>>) target(%arg9 : memref<640xf32, #tpu.memory_space<vmem>>) target_semaphore(%run_scoped3A : memref<!tpu.dma_semaphore, #tpu.memory_space<semaphore_mem>>)
      tpu.wait_dma2 semaphore(%run_scoped3A : memref<!tpu.dma_semaphore, #tpu.memory_space<semaphore_mem>>) src(%arg6 : memref<640xf32, #tpu.memory_space<hbm>>) dst(%arg9 : memref<640xf32, #tpu.memory_space<vmem>>)
      tpu.yield
    }) : () -> ()
    %broadcast_in_dim3A = arith.constant 0 : i32
    %broadcast_in_dim3A_3 = vector.broadcast %broadcast_in_dim3A : i32 to vector<16xi32>
    %swap3A = arith.constant 192 : index
    %swap3A_4 = tpu.vector_load %arg10[%swap3A] {strides = array<i32>} : memref<208xi32, #tpu.memory_space<vmem>>, vector<16xi32>,
    %swap3A_5 = vector.shape_cast %swap3A_4 : vector<16xi32> to vector<16xi32>
    %swap3A_6 = vector.shape_cast %broadcast_in_dim3A_3 : vector<16xi32> to vector<16xi32>
    tpu.vector_store %arg10[%swap3A], %swap3A_6 {strides = array<i32>} : memref<208xi32, #tpu.memory_space<vmem>>, vector<16xi32>,
    %swap3A_7 = arith.constant 192 : index
    %swap3A_8 = tpu.vector_load %arg11[%swap3A_7] {strides = array<i32>} : memref<208xi32, #tpu.memory_space<vmem>>, vector<16xi32>,
    %swap3A_9 = vector.shape_cast %swap3A_8 : vector<16xi32> to vector<16xi32>
    %swap3A_10 = vector.shape_cast %broadcast_in_dim3A_3 : vector<16xi32> to vector<16xi32>
    tpu.vector_store %arg11[%swap3A_7], %swap3A_10 {strides = array<i32>} : memref<208xi32, #tpu.memory_space<vmem>>, vector<16xi32>,
    %get3A = arith.constant 0 : index
    %get3A_11 = tpu.vector_load %arg9[%get3A] {strides = array<i32>} : memref<640xf32, #tpu.memory_space<vmem>>, vector<16xf32>,
    %get3A_12 = vector.shape_cast %get3A_11 : vector<16xf32> to vector<16xf32>
    %get3A_13 = arith.constant 16 : index
    %get3A_14 = tpu.vector_load %arg9[%get3A_13] {strides = array<i32>} : memref<640xf32, #tpu.memory_space<vmem>>, vector<16xf32>,
    %get3A_15 = vector.shape_cast %get3A_14 : vector<16xf32> to vector<16xf32>
    %get3A_16 = arith.constant 32 : index
    %get3A_17 = tpu.vector_load %arg9[%get3A_16] {strides = array<i32>} : memref<640xf32, #tpu.memory_space<vmem>>, vector<16xf32>,
    %get3A_18 = vector.shape_cast %get3A_17 : vector<16xf32> to vector<16xf32>
    %get3A_19 = arith.constant 48 : index
    %get3A_20 = tpu.vector_load %arg9[%get3A_19] {strides = array<i32>} : memref<640xf32, #tpu.memory_space<vmem>>, vector<16xf32>,
    %get3A_21 = vector.shape_cast %get3A_20 : vector<16xf32> to vector<16xf32>
    %get3A_22 = arith.constant 64 : index
    %get3A_23 = tpu.vector_load %arg9[%get3A_22] {strides = array<i32>} : memref<640xf32, #tpu.memory_space<vmem>>, vector<16xf32>,
    %get3A_24 = vector.shape_cast %get3A_23 : vector<16xf32> to vector<16xf32>
    %get3A_25 = arith.constant 80 : index
    %get3A_26 = tpu.vector_load %arg9[%get3A_25] {strides = array<i32>} : memref<640xf32, #tpu.memory_space<vmem>>, vector<16xf32>,
    %get3A_27 = vector.shape_cast %get3A_26 : vector<16xf32> to vector<16xf32>
    %get3A_28 = arith.constant 96 : index
    %get3A_29 = tpu.vector_load %arg9[%get3A_28] {strides = array<i32>} : memref<640xf32, #tpu.memory_space<vmem>>, vector<16xf32>,
    %get3A_30 = vector.shape_cast %get3A_29 : vector<16xf32> to vector<16xf32>
    %get3A_31 = arith.constant 112 : index
    %get3A_32 = tpu.vector_load %arg9[%get3A_31] {strides = array<i32>} : memref<640xf32, #tpu.memory_space<vmem>>, vector<16xf32>,
    %get3A_33 = vector.shape_cast %get3A_32 : vector<16xf32> to vector<16xf32>
    %get3A_34 = arith.constant 128 : index
    %get3A_35 = tpu.vector_load %arg9[%get3A_34] {strides = array<i32>} : memref<640xf32, #tpu.memory_space<vmem>>, vector<16xf32>,
    %get3A_36 = vector.shape_cast %get3A_35 : vector<16xf32> to vector<16xf32>
    %get3A_37 = arith.constant 144 : index
    %get3A_38 = tpu.vector_load %arg9[%get3A_37] {strides = array<i32>} : memref<640xf32, #tpu.memory_space<vmem>>, vector<16xf32>,
    %get3A_39 = vector.shape_cast %get3A_38 : vector<16xf32> to vector<16xf32>
    %get3A_40 = arith.constant 160 : index
    %get3A_41 = tpu.vector_load %arg9[%get3A_40] {strides = array<i32>} : memref<640xf32, #tpu.memory_space<vmem>>, vector<16xf32>,
    %get3A_42 = vector.shape_cast %get3A_41 : vector<16xf32> to vector<16xf32>
    %get3A_43 = arith.constant 176 : index
    %get3A_44 = tpu.vector_load %arg9[%get3A_43] {strides = array<i32>} : memref<640xf32, #tpu.memory_space<vmem>>, vector<16xf32>,
    %get3A_45 = vector.shape_cast %get3A_44 : vector<16xf32> to vector<16xf32>
    %get3A_46 = arith.constant 192 : index
    %get3A_47 = tpu.vector_load %arg9[%get3A_46] {strides = array<i32>} : memref<640xf32, #tpu.memory_space<vmem>>, vector<16xf32>,
    %get3A_48 = vector.shape_cast %get3A_47 : vector<16xf32> to vector<16xf32>
    %get3A_49 = arith.constant 208 : index
    %get3A_50 = tpu.vector_load %arg9[%get3A_49] {strides = array<i32>} : memref<640xf32, #tpu.memory_space<vmem>>, vector<16xf32>,
    %get3A_51 = vector.shape_cast %get3A_50 : vector<16xf32> to vector<16xf32>
    %get3A_52 = arith.constant 224 : index
    %get3A_53 = tpu.vector_load %arg9[%get3A_52] {strides = array<i32>} : memref<640xf32, #tpu.memory_space<vmem>>, vector<16xf32>,
    %get3A_54 = vector.shape_cast %get3A_53 : vector<16xf32> to vector<16xf32>
    %get3A_55 = arith.constant 240 : index
    %get3A_56 = tpu.vector_load %arg9[%get3A_55] {strides = array<i32>} : memref<640xf32, #tpu.memory_space<vmem>>, vector<16xf32>,
    %get3A_57 = vector.shape_cast %get3A_56 : vector<16xf32> to vector<16xf32>
    %get3A_58 = arith.constant 256 : index
    %get3A_59 = tpu.vector_load %arg9[%get3A_58] {strides = array<i32>} : memref<640xf32, #tpu.memory_space<vmem>>, vector<16xf32>,
    %get3A_60 = vector.shape_cast %get3A_59 : vector<16xf32> to vector<16xf32>
    %get3A_61 = arith.constant 272 : index
    %get3A_62 = tpu.vector_load %arg9[%get3A_61] {strides = array<i32>} : memref<640xf32, #tpu.memory_space<vmem>>, vector<16xf32>,
    %get3A_63 = vector.shape_cast %get3A_62 : vector<16xf32> to vector<16xf32>
    %get3A_64 = arith.constant 288 : index
    %get3A_65 = tpu.vector_load %arg9[%get3A_64] {strides = array<i32>} : memref<640xf32, #tpu.memory_space<vmem>>, vector<16xf32>,
    %get3A_66 = vector.shape_cast %get3A_65 : vector<16xf32> to vector<16xf32>
    %get3A_67 = arith.constant 304 : index
    %get3A_68 = tpu.vector_load %arg9[%get3A_67] {strides = array<i32>} : memref<640xf32, #tpu.memory_space<vmem>>, vector<16xf32>,
    %get3A_69 = vector.shape_cast %get3A_68 : vector<16xf32> to vector<16xf32>
    %get3A_70 = arith.constant 320 : index
    %get3A_71 = tpu.vector_load %arg9[%get3A_70] {strides = array<i32>} : memref<640xf32, #tpu.memory_space<vmem>>, vector<16xf32>,
    %get3A_72 = vector.shape_cast %get3A_71 : vector<16xf32> to vector<16xf32>
    %get3A_73 = arith.constant 336 : index
    %get3A_74 = tpu.vector_load %arg9[%get3A_73] {strides = array<i32>} : memref<640xf32, #tpu.memory_space<vmem>>, vector<16xf32>,
    %get3A_75 = vector.shape_cast %get3A_74 : vector<16xf32> to vector<16xf32>
    %get3A_76 = arith.constant 352 : index
    %get3A_77 = tpu.vector_load %arg9[%get3A_76] {strides = array<i32>} : memref<640xf32, #tpu.memory_space<vmem>>, vector<16xf32>,
    %get3A_78 = vector.shape_cast %get3A_77 : vector<16xf32> to vector<16xf32>
    %get3A_79 = arith.constant 368 : index
    %get3A_80 = tpu.vector_load %arg9[%get3A_79] {strides = array<i32>} : memref<640xf32, #tpu.memory_space<vmem>>, vector<16xf32>,
    %get3A_81 = vector.shape_cast %get3A_80 : vector<16xf32> to vector<16xf32>
    %get3A_82 = arith.constant 384 : index
    %get3A_83 = tpu.vector_load %arg9[%get3A_82] {strides = array<i32>} : memref<640xf32, #tpu.memory_space<vmem>>, vector<16xf32>,
    %get3A_84 = vector.shape_cast %get3A_83 : vector<16xf32> to vector<16xf32>
    %get3A_85 = arith.constant 400 : index
    %get3A_86 = tpu.vector_load %arg9[%get3A_85] {strides = array<i32>} : memref<640xf32, #tpu.memory_space<vmem>>, vector<16xf32>,
    %get3A_87 = vector.shape_cast %get3A_86 : vector<16xf32> to vector<16xf32>
    %get3A_88 = arith.constant 416 : index
    %get3A_89 = tpu.vector_load %arg9[%get3A_88] {strides = array<i32>} : memref<640xf32, #tpu.memory_space<vmem>>, vector<16xf32>,
    %get3A_90 = vector.shape_cast %get3A_89 : vector<16xf32> to vector<16xf32>
    %get3A_91 = arith.constant 432 : index
    %get3A_92 = tpu.vector_load %arg9[%get3A_91] {strides = array<i32>} : memref<640xf32, #tpu.memory_space<vmem>>, vector<16xf32>,
    %get3A_93 = vector.shape_cast %get3A_92 : vector<16xf32> to vector<16xf32>
    %get3A_94 = arith.constant 448 : index
    %get3A_95 = tpu.vector_load %arg9[%get3A_94] {strides = array<i32>} : memref<640xf32, #tpu.memory_space<vmem>>, vector<16xf32>,
    %get3A_96 = vector.shape_cast %get3A_95 : vector<16xf32> to vector<16xf32>
    %get3A_97 = arith.constant 464 : index
    %get3A_98 = tpu.vector_load %arg9[%get3A_97] {strides = array<i32>} : memref<640xf32, #tpu.memory_space<vmem>>, vector<16xf32>,
    %get3A_99 = vector.shape_cast %get3A_98 : vector<16xf32> to vector<16xf32>
    %get3A_100 = arith.constant 480 : index
    %get3A_101 = tpu.vector_load %arg9[%get3A_100] {strides = array<i32>} : memref<640xf32, #tpu.memory_space<vmem>>, vector<16xf32>,
    %get3A_102 = vector.shape_cast %get3A_101 : vector<16xf32> to vector<16xf32>
    %get3A_103 = arith.constant 496 : index
    %get3A_104 = tpu.vector_load %arg9[%get3A_103] {strides = array<i32>} : memref<640xf32, #tpu.memory_space<vmem>>, vector<16xf32>,
    %get3A_105 = vector.shape_cast %get3A_104 : vector<16xf32> to vector<16xf32>
    %get3A_106 = arith.constant 512 : index
    %get3A_107 = tpu.vector_load %arg9[%get3A_106] {strides = array<i32>} : memref<640xf32, #tpu.memory_space<vmem>>, vector<16xf32>,
    %get3A_108 = vector.shape_cast %get3A_107 : vector<16xf32> to vector<16xf32>
    %get3A_109 = arith.constant 528 : index
    %get3A_110 = tpu.vector_load %arg9[%get3A_109] {strides = array<i32>} : memref<640xf32, #tpu.memory_space<vmem>>, vector<16xf32>,
    %get3A_111 = vector.shape_cast %get3A_110 : vector<16xf32> to vector<16xf32>
    %get3A_112 = arith.constant 544 : index
    %get3A_113 = tpu.vector_load %arg9[%get3A_112] {strides = array<i32>} : memref<640xf32, #tpu.memory_space<vmem>>, vector<16xf32>,
    %get3A_114 = vector.shape_cast %get3A_113 : vector<16xf32> to vector<16xf32>
    %get3A_115 = arith.constant 560 : index
    %get3A_116 = tpu.vector_load %arg9[%get3A_115] {strides = array<i32>} : memref<640xf32, #tpu.memory_space<vmem>>, vector<16xf32>,
    %get3A_117 = vector.shape_cast %get3A_116 : vector<16xf32> to vector<16xf32>
    %get3A_118 = arith.constant 576 : index
    %get3A_119 = tpu.vector_load %arg9[%get3A_118] {strides = array<i32>} : memref<640xf32, #tpu.memory_space<vmem>>, vector<16xf32>,
    %get3A_120 = vector.shape_cast %get3A_119 : vector<16xf32> to vector<16xf32>
    %get3A_121 = arith.constant 592 : index
    %get3A_122 = tpu.vector_load %arg9[%get3A_121] {strides = array<i32>} : memref<640xf32, #tpu.memory_space<vmem>>, vector<16xf32>,
    %get3A_123 = vector.shape_cast %get3A_122 : vector<16xf32> to vector<16xf32>
    %get3A_124 = arith.constant 608 : index
    %get3A_125 = tpu.vector_load %arg9[%get3A_124] {strides = array<i32>} : memref<640xf32, #tpu.memory_space<vmem>>, vector<16xf32>,
    %get3A_126 = vector.shape_cast %get3A_125 : vector<16xf32> to vector<16xf32>
    %get3A_127 = arith.constant 624 : index
    %get3A_128 = tpu.vector_load %arg9[%get3A_127] {strides = array<i32>} : memref<640xf32, #tpu.memory_space<vmem>>, vector<16xf32>,
    %get3A_129 = vector.shape_cast %get3A_128 : vector<16xf32> to vector<16xf32>
    %mul3A_130 = arith.constant 200 : i32
    %mul3A_131 = arith.muli %mul3A_2, %mul3A_130 : i32
    "tpu.region"() ({
      %run_scoped3A = tpu.sem_alloc : memref<!tpu.dma_semaphore, #tpu.memory_space<semaphore_mem>>
      %dma_start3A = arith.constant 0 : i32
      %dma_start3A_148 = tpu.memref_slice %arg10[%dma_start3A] : memref<208xi32, #tpu.memory_space<vmem>> -> memref<200xi32, #tpu.memory_space<vmem>>
      %dma_start3A_149 = tpu.memref_slice %arg2[%mul3A_131] : memref<204800xi32, #tpu.memory_space<hbm>> -> memref<200xi32, #tpu.memory_space<hbm>>
      %dma_start3A_150 = arith.constant 0 : i32
      %dma_start3A_151 = tpu.memref_slice %arg10[%dma_start3A_150] : memref<208xi32, #tpu.memory_space<vmem>> -> memref<200xi32, #tpu.memory_space<vmem>>
      %dma_start3A_152 = tpu.memref_slice %arg2[%mul3A_131] : memref<204800xi32, #tpu.memory_space<hbm>> -> memref<200xi32, #tpu.memory_space<hbm>>
      tpu.enqueue_dma source(%dma_start3A_152 : memref<200xi32, #tpu.memory_space<hbm>>) target(%dma_start3A_151 : memref<200xi32, #tpu.memory_space<vmem>>) target_semaphore(%run_scoped3A : memref<!tpu.dma_semaphore, #tpu.memory_space<semaphore_mem>>)
      %dma_wait3A_153 = arith.constant 0 : i32
      %dma_wait3A_154 = tpu.memref_slice %arg10[%dma_wait3A_153] : memref<208xi32, #tpu.memory_space<vmem>> -> memref<200xi32, #tpu.memory_space<vmem>>
      %dma_wait3A_155 = tpu.memref_slice %arg2[%mul3A_131] : memref<204800xi32, #tpu.memory_space<hbm>> -> memref<200xi32, #tpu.memory_space<hbm>>
      %dma_wait3A_156 = arith.constant 0 : i32
      %dma_wait3A_157 = tpu.memref_slice %arg10[%dma_wait3A_156] : memref<208xi32, #tpu.memory_space<vmem>> -> memref<200xi32, #tpu.memory_space<vmem>>
      %dma_wait3A_158 = tpu.memref_slice %arg2[%mul3A_131] : memref<204800xi32, #tpu.memory_space<hbm>> -> memref<200xi32, #tpu.memory_space<hbm>>
      tpu.wait_dma2 semaphore(%run_scoped3A : memref<!tpu.dma_semaphore, #tpu.memory_space<semaphore_mem>>) src(%dma_wait3A_158 : memref<200xi32, #tpu.memory_space<hbm>>) dst(%dma_wait3A_157 : memref<200xi32, #tpu.memory_space<vmem>>)
      tpu.yield
    }) : () -> ()
    %scan3A = arith.constant 0 : i32
    %scan3A_132 = arith.constant 0 : i32
    %scan3A_133 = arith.constant 16 : i32
    %scan3A_134 = arith.addi %scan3A_132, %scan3A_133 : i32
    %scan3A_135 = arith.constant 1 : i32
    scf.for %scan3A_148 = %scan3A_132 to %scan3A_134 step %scan3A_135  : i32 {
      %mul3A_149 = arith.constant 2 : i32
      %mul3A_150 = arith.muli %scan3A_148, %mul3A_149 : i32
      %add3A_151 = arith.addi %mul3A_2, %mul3A_150 : i32
      %add3A_152 = arith.constant 1 : i32
      %add3A_153 = arith.addi %mul3A_150, %add3A_152 : i32
      %min3A = arith.constant 31 : i32
      %min3A_154 = arith.minsi %add3A_153, %min3A : i32
      %add3A_155 = arith.addi %mul3A_2, %min3A_154 : i32
      %mul3A_156 = arith.constant 200 : i32
      %mul3A_157 = arith.muli %add3A_155, %mul3A_156 : i32
      %dma_start3A = arith.constant 0 : i32
      %dma_start3A_158 = tpu.memref_slice %arg11[%dma_start3A] : memref<208xi32, #tpu.memory_space<vmem>> -> memref<200xi32, #tpu.memory_space<vmem>>
      %dma_start3A_159 = tpu.memref_slice %arg2[%mul3A_157] : memref<204800xi32, #tpu.memory_space<hbm>> -> memref<200xi32, #tpu.memory_space<hbm>>
      %dma_start3A_160 = arith.constant 0 : i32
      %dma_start3A_161 = tpu.memref_slice %arg11[%dma_start3A_160] : memref<208xi32, #tpu.memory_space<vmem>> -> memref<200xi32, #tpu.memory_space<vmem>>
      %dma_start3A_162 = tpu.memref_slice %arg2[%mul3A_157] : memref<204800xi32, #tpu.memory_space<hbm>> -> memref<200xi32, #tpu.memory_space<hbm>>
      tpu.enqueue_dma source(%dma_start3A_162 : memref<200xi32, #tpu.memory_space<hbm>>) target(%dma_start3A_161 : memref<200xi32, #tpu.memory_space<vmem>>) target_semaphore(%arg20 : memref<!tpu.dma_semaphore, #tpu.memory_space<semaphore_mem>>)
      %get3A_163 = arith.constant 0 : index
      %get3A_164 = tpu.vector_load %arg10[%get3A_163] {strides = array<i32>} : memref<208xi32, #tpu.memory_space<vmem>>, vector<16xi32>,
      %get3A_165 = vector.shape_cast %get3A_164 : vector<16xi32> to vector<16xi32>
      %shift_right_logical3A = arith.constant 6 : i32
      %shift_right_logical3A_166 = vector.broadcast %shift_right_logical3A : i32 to vector<16xi32>
      %shift_right_logical3A_167 = arith.shrui %get3A_165, %shift_right_logical3A_166 : vector<16xi32>
      %swap3A_168 = arith.constant 0 : index
      %swap3A_169 = tpu.vector_load %arg12[%swap3A_168] {strides = array<i32>} : memref<208xi32, #tpu.memory_space<vmem>>, vector<16xi32>,
      %swap3A_170 = vector.shape_cast %swap3A_169 : vector<16xi32> to vector<16xi32>
      %swap3A_171 = vector.shape_cast %shift_right_logical3A_167 : vector<16xi32> to vector<16xi32>
      tpu.vector_store %arg12[%swap3A_168], %swap3A_171 {strides = array<i32>} : memref<208xi32, #tpu.memory_space<vmem>>, vector<16xi32>,
      %get3A_172 = arith.constant 16 : index
      %get3A_173 = tpu.vector_load %arg10[%get3A_172] {strides = array<i32>} : memref<208xi32, #tpu.memory_space<vmem>>, vector<16xi32>,
      %get3A_174 = vector.shape_cast %get3A_173 : vector<16xi32> to vector<16xi32>
      %shift_right_logical3A_175 = arith.constant 6 : i32
      %shift_right_logical3A_176 = vector.broadcast %shift_right_logical3A_175 : i32 to vector<16xi32>
      %shift_right_logical3A_177 = arith.shrui %get3A_174, %shift_right_logical3A_176 : vector<16xi32>
      %swap3A_178 = arith.constant 16 : index
      %swap3A_179 = tpu.vector_load %arg12[%swap3A_178] {strides = array<i32>} : memref<208xi32, #tpu.memory_space<vmem>>, vector<16xi32>,
      %swap3A_180 = vector.shape_cast %swap3A_179 : vector<16xi32> to vector<16xi32>
      %swap3A_181 = vector.shape_cast %shift_right_logical3A_177 : vector<16xi32> to vector<16xi32>
      tpu.vector_store %arg12[%swap3A_178], %swap3A_181 {strides = array<i32>} : memref<208xi32, #tpu.memory_space<vmem>>, vector<16xi32>,
      %get3A_182 = arith.constant 32 : index
      %get3A_183 = tpu.vector_load %arg10[%get3A_182] {strides = array<i32>} : memref<208xi32, #tpu.memory_space<vmem>>, vector<16xi32>,
      %get3A_184 = vector.shape_cast %get3A_183 : vector<16xi32> to vector<16xi32>
      %shift_right_logical3A_185 = arith.constant 6 : i32
      %shift_right_logical3A_186 = vector.broadcast %shift_right_logical3A_185 : i32 to vector<16xi32>
      %shift_right_logical3A_187 = arith.shrui %get3A_184, %shift_right_logical3A_186 : vector<16xi32>
      %swap3A_188 = arith.constant 32 : index
      %swap3A_189 = tpu.vector_load %arg12[%swap3A_188] {strides = array<i32>} : memref<208xi32, #tpu.memory_space<vmem>>, vector<16xi32>,
      %swap3A_190 = vector.shape_cast %swap3A_189 : vector<16xi32> to vector<16xi32>
      %swap3A_191 = vector.shape_cast %shift_right_logical3A_187 : vector<16xi32> to vector<16xi32>
      tpu.vector_store %arg12[%swap3A_188], %swap3A_191 {strides = array<i32>} : memref<208xi32, #tpu.memory_space<vmem>>, vector<16xi32>,
      %get3A_192 = arith.constant 48 : index
      %get3A_193 = tpu.vector_load %arg10[%get3A_192] {strides = array<i32>} : memref<208xi32, #tpu.memory_space<vmem>>, vector<16xi32>,
      %get3A_194 = vector.shape_cast %get3A_193 : vector<16xi32> to vector<16xi32>
      %shift_right_logical3A_195 = arith.constant 6 : i32
      %shift_right_logical3A_196 = vector.broadcast %shift_right_logical3A_195 : i32 to vector<16xi32>
      %shift_right_logical3A_197 = arith.shrui %get3A_194, %shift_right_logical3A_196 : vector<16xi32>
      %swap3A_198 = arith.constant 48 : index
      %swap3A_199 = tpu.vector_load %arg12[%swap3A_198] {strides = array<i32>} : memref<208xi32, #tpu.memory_space<vmem>>, vector<16xi32>,
      %swap3A_200 = vector.shape_cast %swap3A_199 : vector<16xi32> to vector<16xi32>
      %swap3A_201 = vector.shape_cast %shift_right_logical3A_197 : vector<16xi32> to vector<16xi32>
      tpu.vector_store %arg12[%swap3A_198], %swap3A_201 {strides = array<i32>} : memref<208xi32, #tpu.memory_space<vmem>>, vector<16xi32>,
      %get3A_202 = arith.constant 64 : index
      %get3A_203 = tpu.vector_load %arg10[%get3A_202] {strides = array<i32>} : memref<208xi32, #tpu.memory_space<vmem>>, vector<16xi32>,
      %get3A_204 = vector.shape_cast %get3A_203 : vector<16xi32> to vector<16xi32>
      %shift_right_logical3A_205 = arith.constant 6 : i32
      %shift_right_logical3A_206 = vector.broadcast %shift_right_logical3A_205 : i32 to vector<16xi32>
      %shift_right_logical3A_207 = arith.shrui %get3A_204, %shift_right_logical3A_206 : vector<16xi32>
      %swap3A_208 = arith.constant 64 : index
      %swap3A_209 = tpu.vector_load %arg12[%swap3A_208] {strides = array<i32>} : memref<208xi32, #tpu.memory_space<vmem>>, vector<16xi32>,
      %swap3A_210 = vector.shape_cast %swap3A_209 : vector<16xi32> to vector<16xi32>
      %swap3A_211 = vector.shape_cast %shift_right_logical3A_207 : vector<16xi32> to vector<16xi32>
      tpu.vector_store %arg12[%swap3A_208], %swap3A_211 {strides = array<i32>} : memref<208xi32, #tpu.memory_space<vmem>>, vector<16xi32>,
      %get3A_212 = arith.constant 80 : index
      %get3A_213 = tpu.vector_load %arg10[%get3A_212] {strides = array<i32>} : memref<208xi32, #tpu.memory_space<vmem>>, vector<16xi32>,
      %get3A_214 = vector.shape_cast %get3A_213 : vector<16xi32> to vector<16xi32>
      %shift_right_logical3A_215 = arith.constant 6 : i32
      %shift_right_logical3A_216 = vector.broadcast %shift_right_logical3A_215 : i32 to vector<16xi32>
      %shift_right_logical3A_217 = arith.shrui %get3A_214, %shift_right_logical3A_216 : vector<16xi32>
      %swap3A_218 = arith.constant 80 : index
      %swap3A_219 = tpu.vector_load %arg12[%swap3A_218] {strides = array<i32>} : memref<208xi32, #tpu.memory_space<vmem>>, vector<16xi32>,
      %swap3A_220 = vector.shape_cast %swap3A_219 : vector<16xi32> to vector<16xi32>
      %swap3A_221 = vector.shape_cast %shift_right_logical3A_217 : vector<16xi32> to vector<16xi32>
      tpu.vector_store %arg12[%swap3A_218], %swap3A_221 {strides = array<i32>} : memref<208xi32, #tpu.memory_space<vmem>>, vector<16xi32>,
      %get3A_222 = arith.constant 96 : index
      %get3A_223 = tpu.vector_load %arg10[%get3A_222] {strides = array<i32>} : memref<208xi32, #tpu.memory_space<vmem>>, vector<16xi32>,
      %get3A_224 = vector.shape_cast %get3A_223 : vector<16xi32> to vector<16xi32>
      %shift_right_logical3A_225 = arith.constant 6 : i32
      %shift_right_logical3A_226 = vector.broadcast %shift_right_logical3A_225 : i32 to vector<16xi32>
      %shift_right_logical3A_227 = arith.shrui %get3A_224, %shift_right_logical3A_226 : vector<16xi32>
      %swap3A_228 = arith.constant 96 : index
      %swap3A_229 = tpu.vector_load %arg12[%swap3A_228] {strides = array<i32>} : memref<208xi32, #tpu.memory_space<vmem>>, vector<16xi32>,
      %swap3A_230 = vector.shape_cast %swap3A_229 : vector<16xi32> to vector<16xi32>
      %swap3A_231 = vector.shape_cast %shift_right_logical3A_227 : vector<16xi32> to vector<16xi32>
      tpu.vector_store %arg12[%swap3A_228], %swap3A_231 {strides = array<i32>} : memref<208xi32, #tpu.memory_space<vmem>>, vector<16xi32>,
      %get3A_232 = arith.constant 112 : index
      %get3A_233 = tpu.vector_load %arg10[%get3A_232] {strides = array<i32>} : memref<208xi32, #tpu.memory_space<vmem>>, vector<16xi32>,
      %get3A_234 = vector.shape_cast %get3A_233 : vector<16xi32> to vector<16xi32>
      %shift_right_logical3A_235 = arith.constant 6 : i32
      %shift_right_logical3A_236 = vector.broadcast %shift_right_logical3A_235 : i32 to vector<16xi32>
      %shift_right_logical3A_237 = arith.shrui %get3A_234, %shift_right_logical3A_236 : vector<16xi32>
      %swap3A_238 = arith.constant 112 : index
      %swap3A_239 = tpu.vector_load %arg12[%swap3A_238] {strides = array<i32>} : memref<208xi32, #tpu.memory_space<vmem>>, vector<16xi32>,
      %swap3A_240 = vector.shape_cast %swap3A_239 : vector<16xi32> to vector<16xi32>
      %swap3A_241 = vector.shape_cast %shift_right_logical3A_237 : vector<16xi32> to vector<16xi32>
      tpu.vector_store %arg12[%swap3A_238], %swap3A_241 {strides = array<i32>} : memref<208xi32, #tpu.memory_space<vmem>>, vector<16xi32>,
      %get3A_242 = arith.constant 128 : index
      %get3A_243 = tpu.vector_load %arg10[%get3A_242] {strides = array<i32>} : memref<208xi32, #tpu.memory_space<vmem>>, vector<16xi32>,
      %get3A_244 = vector.shape_cast %get3A_243 : vector<16xi32> to vector<16xi32>
      %shift_right_logical3A_245 = arith.constant 6 : i32
      %shift_right_logical3A_246 = vector.broadcast %shift_right_logical3A_245 : i32 to vector<16xi32>
      %shift_right_logical3A_247 = arith.shrui %get3A_244, %shift_right_logical3A_246 : vector<16xi32>
      %swap3A_248 = arith.constant 128 : index
      %swap3A_249 = tpu.vector_load %arg12[%swap3A_248] {strides = array<i32>} : memref<208xi32, #tpu.memory_space<vmem>>, vector<16xi32>,
      %swap3A_250 = vector.shape_cast %swap3A_249 : vector<16xi32> to vector<16xi32>
      %swap3A_251 = vector.shape_cast %shift_right_logical3A_247 : vector<16xi32> to vector<16xi32>
      tpu.vector_store %arg12[%swap3A_248], %swap3A_251 {strides = array<i32>} : memref<208xi32, #tpu.memory_space<vmem>>, vector<16xi32>,
      %get3A_252 = arith.constant 144 : index
      %get3A_253 = tpu.vector_load %arg10[%get3A_252] {strides = array<i32>} : memref<208xi32, #tpu.memory_space<vmem>>, vector<16xi32>,
      %get3A_254 = vector.shape_cast %get3A_253 : vector<16xi32> to vector<16xi32>
      %shift_right_logical3A_255 = arith.constant 6 : i32
      %shift_right_logical3A_256 = vector.broadcast %shift_right_logical3A_255 : i32 to vector<16xi32>
      %shift_right_logical3A_257 = arith.shrui %get3A_254, %shift_right_logical3A_256 : vector<16xi32>
      %swap3A_258 = arith.constant 144 : index
      %swap3A_259 = tpu.vector_load %arg12[%swap3A_258] {strides = array<i32>} : memref<208xi32, #tpu.memory_space<vmem>>, vector<16xi32>,
      %swap3A_260 = vector.shape_cast %swap3A_259 : vector<16xi32> to vector<16xi32>
      %swap3A_261 = vector.shape_cast %shift_right_logical3A_257 : vector<16xi32> to vector<16xi32>
      tpu.vector_store %arg12[%swap3A_258], %swap3A_261 {strides = array<i32>} : memref<208xi32, #tpu.memory_space<vmem>>, vector<16xi32>,
      %get3A_262 = arith.constant 160 : index
      %get3A_263 = tpu.vector_load %arg10[%get3A_262] {strides = array<i32>} : memref<208xi32, #tpu.memory_space<vmem>>, vector<16xi32>,
      %get3A_264 = vector.shape_cast %get3A_263 : vector<16xi32> to vector<16xi32>
      %shift_right_logical3A_265 = arith.constant 6 : i32
      %shift_right_logical3A_266 = vector.broadcast %shift_right_logical3A_265 : i32 to vector<16xi32>
      %shift_right_logical3A_267 = arith.shrui %get3A_264, %shift_right_logical3A_266 : vector<16xi32>
      %swap3A_268 = arith.constant 160 : index
      %swap3A_269 = tpu.vector_load %arg12[%swap3A_268] {strides = array<i32>} : memref<208xi32, #tpu.memory_space<vmem>>, vector<16xi32>,
      %swap3A_270 = vector.shape_cast %swap3A_269 : vector<16xi32> to vector<16xi32>
      %swap3A_271 = vector.shape_cast %shift_right_logical3A_267 : vector<16xi32> to vector<16xi32>
      tpu.vector_store %arg12[%swap3A_268], %swap3A_271 {strides = array<i32>} : memref<208xi32, #tpu.memory_space<vmem>>, vector<16xi32>,
      %get3A_272 = arith.constant 176 : index
      %get3A_273 = tpu.vector_load %arg10[%get3A_272] {strides = array<i32>} : memref<208xi32, #tpu.memory_space<vmem>>, vector<16xi32>,
      %get3A_274 = vector.shape_cast %get3A_273 : vector<16xi32> to vector<16xi32>
      %shift_right_logical3A_275 = arith.constant 6 : i32
      %shift_right_logical3A_276 = vector.broadcast %shift_right_logical3A_275 : i32 to vector<16xi32>
      %shift_right_logical3A_277 = arith.shrui %get3A_274, %shift_right_logical3A_276 : vector<16xi32>
      %swap3A_278 = arith.constant 176 : index
      %swap3A_279 = tpu.vector_load %arg12[%swap3A_278] {strides = array<i32>} : memref<208xi32, #tpu.memory_space<vmem>>, vector<16xi32>,
      %swap3A_280 = vector.shape_cast %swap3A_279 : vector<16xi32> to vector<16xi32>
      %swap3A_281 = vector.shape_cast %shift_right_logical3A_277 : vector<16xi32> to vector<16xi32>
      tpu.vector_store %arg12[%swap3A_278], %swap3A_281 {strides = array<i32>} : memref<208xi32, #tpu.memory_space<vmem>>, vector<16xi32>,
      %get3A_282 = arith.constant 192 : index
      %get3A_283 = tpu.vector_load %arg10[%get3A_282] {strides = array<i32>} : memref<208xi32, #tpu.memory_space<vmem>>, vector<16xi32>,
      %get3A_284 = vector.shape_cast %get3A_283 : vector<16xi32> to vector<16xi32>
      %shift_right_logical3A_285 = arith.constant 6 : i32
      %shift_right_logical3A_286 = vector.broadcast %shift_right_logical3A_285 : i32 to vector<16xi32>
      %shift_right_logical3A_287 = arith.shrui %get3A_284, %shift_right_logical3A_286 : vector<16xi32>
      %swap3A_288 = arith.constant 192 : index
      %swap3A_289 = tpu.vector_load %arg12[%swap3A_288] {strides = array<i32>} : memref<208xi32, #tpu.memory_space<vmem>>, vector<16xi32>,
      %swap3A_290 = vector.shape_cast %swap3A_289 : vector<16xi32> to vector<16xi32>
      %swap3A_291 = vector.shape_cast %shift_right_logical3A_287 : vector<16xi32> to vector<16xi32>
      tpu.vector_store %arg12[%swap3A_288], %swap3A_291 {strides = array<i32>} : memref<208xi32, #tpu.memory_space<vmem>>, vector<16xi32>,
      %dma_start3A_292 = arith.constant 0 : i32
      %dma_start3A_293 = arith.constant 0 : i32
      %dma_start3A_294 = tpu.memref_slice %arg16[%dma_start3A_292, %dma_start3A_293] : memref<208x128xf32, #tpu.memory_space<vmem>> -> memref<104x128xf32, #tpu.memory_space<vmem>>
      %dma_start3A_295 = arith.constant 0 : i32
      %dma_start3A_296 = tpu.memref_slice %arg10[%dma_start3A_295] : memref<208xi32, #tpu.memory_space<vmem>> -> memref<104xi32, #tpu.memory_space<vmem>>
      %dma_start3A_297 = arith.constant 0 : i32
      %dma_start3A_298 = arith.constant 0 : i32
      %dma_start3A_299 = tpu.memref_slice %arg4[%dma_start3A_297, %dma_start3A_298] : memref<100000x128xf32, #tpu.memory_space<hbm>> -> memref<100000x128xf32, #tpu.memory_space<hbm>>
      tpu.enqueue_indirect_dma source(%dma_start3A_299 : memref<100000x128xf32, #tpu.memory_space<hbm>>) target(%dma_start3A_294 : memref<104x128xf32, #tpu.memory_space<vmem>>) offsets(%dma_start3A_296 : memref<104xi32, #tpu.memory_space<vmem>>) semaphore(%arg19 : memref<!tpu.dma_semaphore, #tpu.memory_space<semaphore_mem>>)
      %dma_start3A_300 = arith.constant 104 : i32
      %dma_start3A_301 = arith.constant 0 : i32
      %dma_start3A_302 = tpu.memref_slice %arg16[%dma_start3A_300, %dma_start3A_301] : memref<208x128xf32, #tpu.memory_space<vmem>> -> memref<104x128xf32, #tpu.memory_space<vmem>>
      %dma_start3A_303 = arith.constant 104 : i32
      %dma_start3A_304 = tpu.memref_slice %arg10[%dma_start3A_303] : memref<208xi32, #tpu.memory_space<vmem>> -> memref<104xi32, #tpu.memory_space<vmem>>
      %dma_start3A_305 = arith.constant 0 : i32
      %dma_start3A_306 = arith.constant 0 : i32
      %dma_start3A_307 = tpu.memref_slice %arg4[%dma_start3A_305, %dma_start3A_306] : memref<100000x128xf32, #tpu.memory_space<hbm>> -> memref<100000x128xf32, #tpu.memory_space<hbm>>
      tpu.enqueue_indirect_dma source(%dma_start3A_307 : memref<100000x128xf32, #tpu.memory_space<hbm>>) target(%dma_start3A_302 : memref<104x128xf32, #tpu.memory_space<vmem>>) offsets(%dma_start3A_304 : memref<104xi32, #tpu.memory_space<vmem>>) semaphore(%arg19 : memref<!tpu.dma_semaphore, #tpu.memory_space<semaphore_mem>>)
      %dma_start3A_308 = arith.constant 0 : i32
      %dma_start3A_309 = arith.constant 0 : i32
      %dma_start3A_310 = tpu.memref_slice %arg17[%dma_start3A_308, %dma_start3A_309] : memref<208x128xf32, #tpu.memory_space<vmem>> -> memref<104x128xf32, #tpu.memory_space<vmem>>
      %dma_start3A_311 = arith.constant 0 : i32
      %dma_start3A_312 = tpu.memref_slice %arg12[%dma_start3A_311] : memref<208xi32, #tpu.memory_space<vmem>> -> memref<104xi32, #tpu.memory_space<vmem>>
      %dma_start3A_313 = arith.constant 0 : i32
      %dma_start3A_314 = arith.constant 0 : i32
      %dma_start3A_315 = tpu.memref_slice %arg3[%dma_start3A_313, %dma_start3A_314] : memref<1564x128xf32, #tpu.memory_space<hbm>> -> memref<1564x128xf32, #tpu.memory_space<hbm>>
      tpu.enqueue_indirect_dma source(%dma_start3A_315 : memref<1564x128xf32, #tpu.memory_space<hbm>>) target(%dma_start3A_310 : memref<104x128xf32, #tpu.memory_space<vmem>>) offsets(%dma_start3A_312 : memref<104xi32, #tpu.memory_space<vmem>>) semaphore(%arg19 : memref<!tpu.dma_semaphore, #tpu.memory_space<semaphore_mem>>)
      %dma_start3A_316 = arith.constant 104 : i32
      %dma_start3A_317 = arith.constant 0 : i32
      %dma_start3A_318 = tpu.memref_slice %arg17[%dma_start3A_316, %dma_start3A_317] : memref<208x128xf32, #tpu.memory_space<vmem>> -> memref<104x128xf32, #tpu.memory_space<vmem>>
      %dma_start3A_319 = arith.constant 104 : i32
      %dma_start3A_320 = tpu.memref_slice %arg12[%dma_start3A_319] : memref<208xi32, #tpu.memory_space<vmem>> -> memref<104xi32, #tpu.memory_space<vmem>>
      %dma_start3A_321 = arith.constant 0 : i32
      %dma_start3A_322 = arith.constant 0 : i32
      %dma_start3A_323 = tpu.memref_slice %arg3[%dma_start3A_321, %dma_start3A_322] : memref<1564x128xf32, #tpu.memory_space<hbm>> -> memref<1564x128xf32, #tpu.memory_space<hbm>>
      tpu.enqueue_indirect_dma source(%dma_start3A_323 : memref<1564x128xf32, #tpu.memory_space<hbm>>) target(%dma_start3A_318 : memref<104x128xf32, #tpu.memory_space<vmem>>) offsets(%dma_start3A_320 : memref<104xi32, #tpu.memory_space<vmem>>) semaphore(%arg19 : memref<!tpu.dma_semaphore, #tpu.memory_space<semaphore_mem>>)
      %broadcast_in_dim3A_324 = arith.constant 0 : i32
      %broadcast_in_dim3A_325 = vector.broadcast %broadcast_in_dim3A_324 : i32 to vector<16xi32>
      %broadcast_in_dim3A_326 = arith.constant 0.000000e+00 : f32
      %broadcast_in_dim3A_327 = vector.broadcast %broadcast_in_dim3A_326 : f32 to vector<16xf32>
      %swap3A_328 = arith.constant 0 : index
      %swap3A_329 = tpu.vector_load %arg13[%swap3A_328] {strides = array<i32>} : memref<208xi32, #tpu.memory_space<vmem>>, vector<16xi32>,
      %swap3A_330 = vector.shape_cast %swap3A_329 : vector<16xi32> to vector<16xi32>
      %swap3A_331 = vector.shape_cast %broadcast_in_dim3A_325 : vector<16xi32> to vector<16xi32>
      tpu.vector_store %arg13[%swap3A_328], %swap3A_331 {strides = array<i32>} : memref<208xi32, #tpu.memory_space<vmem>>, vector<16xi32>,
      %swap3A_332 = arith.constant 0 : index
      %swap3A_333 = tpu.vector_load %arg14[%swap3A_332] {strides = array<i32>} : memref<208xf32, #tpu.memory_space<vmem>>, vector<16xf32>,
      %swap3A_334 = vector.shape_cast %swap3A_333 : vector<16xf32> to vector<16xf32>
      %swap3A_335 = vector.shape_cast %broadcast_in_dim3A_327 : vector<16xf32> to vector<16xf32>
      tpu.vector_store %arg14[%swap3A_332], %swap3A_335 {strides = array<i32>} : memref<208xf32, #tpu.memory_space<vmem>>, vector<16xf32>,
      %swap3A_336 = arith.constant 0 : index
      %swap3A_337 = tpu.vector_load %arg15[%swap3A_336] {strides = array<i32>} : memref<208xi32, #tpu.memory_space<vmem>>, vector<16xi32>,
      %swap3A_338 = vector.shape_cast %swap3A_337 : vector<16xi32> to vector<16xi32>
      %swap3A_339 = vector.shape_cast %broadcast_in_dim3A_325 : vector<16xi32> to vector<16xi32>
      tpu.vector_store %arg15[%swap3A_336], %swap3A_339 {strides = array<i32>} : memref<208xi32, #tpu.memory_space<vmem>>, vector<16xi32>,
      %swap3A_340 = arith.constant 16 : index
      %swap3A_341 = tpu.vector_load %arg13[%swap3A_340] {strides = array<i32>} : memref<208xi32, #tpu.memory_space<vmem>>, vector<16xi32>,
      %swap3A_342 = vector.shape_cast %swap3A_341 : vector<16xi32> to vector<16xi32>
      %swap3A_343 = vector.shape_cast %broadcast_in_dim3A_325 : vector<16xi32> to vector<16xi32>
      tpu.vector_store %arg13[%swap3A_340], %swap3A_343 {strides = array<i32>} : memref<208xi32, #tpu.memory_space<vmem>>, vector<16xi32>,
      %swap3A_344 = arith.constant 16 : index
      %swap3A_345 = tpu.vector_load %arg14[%swap3A_344] {strides = array<i32>} : memref<208xf32, #tpu.memory_space<vmem>>, vector<16xf32>,
      %swap3A_346 = vector.shape_cast %swap3A_345 : vector<16xf32> to vector<16xf32>
      %swap3A_347 = vector.shape_cast %broadcast_in_dim3A_327 : vector<16xf32> to vector<16xf32>
      tpu.vector_store %arg14[%swap3A_344], %swap3A_347 {strides = array<i32>} : memref<208xf32, #tpu.memory_space<vmem>>, vector<16xf32>,
      %swap3A_348 = arith.constant 16 : index
      %swap3A_349 = tpu.vector_load %arg15[%swap3A_348] {strides = array<i32>} : memref<208xi32, #tpu.memory_space<vmem>>, vector<16xi32>,
      %swap3A_350 = vector.shape_cast %swap3A_349 : vector<16xi32> to vector<16xi32>
      %swap3A_351 = vector.shape_cast %broadcast_in_dim3A_325 : vector<16xi32> to vector<16xi32>
      tpu.vector_store %arg15[%swap3A_348], %swap3A_351 {strides = array<i32>} : memref<208xi32, #tpu.memory_space<vmem>>, vector<16xi32>,
      %swap3A_352 = arith.constant 32 : index
      %swap3A_353 = tpu.vector_load %arg13[%swap3A_352] {strides = array<i32>} : memref<208xi32, #tpu.memory_space<vmem>>, vector<16xi32>,
      %swap3A_354 = vector.shape_cast %swap3A_353 : vector<16xi32> to vector<16xi32>
      %swap3A_355 = vector.shape_cast %broadcast_in_dim3A_325 : vector<16xi32> to vector<16xi32>
      tpu.vector_store %arg13[%swap3A_352], %swap3A_355 {strides = array<i32>} : memref<208xi32, #tpu.memory_space<vmem>>, vector<16xi32>,
      %swap3A_356 = arith.constant 32 : index
      %swap3A_357 = tpu.vector_load %arg14[%swap3A_356] {strides = array<i32>} : memref<208xf32, #tpu.memory_space<vmem>>, vector<16xf32>,
      %swap3A_358 = vector.shape_cast %swap3A_357 : vector<16xf32> to vector<16xf32>
      %swap3A_359 = vector.shape_cast %broadcast_in_dim3A_327 : vector<16xf32> to vector<16xf32>
      tpu.vector_store %arg14[%swap3A_356], %swap3A_359 {strides = array<i32>} : memref<208xf32, #tpu.memory_space<vmem>>, vector<16xf32>,
      %swap3A_360 = arith.constant 32 : index
      %swap3A_361 = tpu.vector_load %arg15[%swap3A_360] {strides = array<i32>} : memref<208xi32, #tpu.memory_space<vmem>>, vector<16xi32>,
      %swap3A_362 = vector.shape_cast %swap3A_361 : vector<16xi32> to vector<16xi32>
      %swap3A_363 = vector.shape_cast %broadcast_in_dim3A_325 : vector<16xi32> to vector<16xi32>
      tpu.vector_store %arg15[%swap3A_360], %swap3A_363 {strides = array<i32>} : memref<208xi32, #tpu.memory_space<vmem>>, vector<16xi32>,
      %swap3A_364 = arith.constant 48 : index
      %swap3A_365 = tpu.vector_load %arg13[%swap3A_364] {strides = array<i32>} : memref<208xi32, #tpu.memory_space<vmem>>, vector<16xi32>,
      %swap3A_366 = vector.shape_cast %swap3A_365 : vector<16xi32> to vector<16xi32>
      %swap3A_367 = vector.shape_cast %broadcast_in_dim3A_325 : vector<16xi32> to vector<16xi32>
      tpu.vector_store %arg13[%swap3A_364], %swap3A_367 {strides = array<i32>} : memref<208xi32, #tpu.memory_space<vmem>>, vector<16xi32>,
      %swap3A_368 = arith.constant 48 : index
      %swap3A_369 = tpu.vector_load %arg14[%swap3A_368] {strides = array<i32>} : memref<208xf32, #tpu.memory_space<vmem>>, vector<16xf32>,
      %swap3A_370 = vector.shape_cast %swap3A_369 : vector<16xf32> to vector<16xf32>
      %swap3A_371 = vector.shape_cast %broadcast_in_dim3A_327 : vector<16xf32> to vector<16xf32>
      tpu.vector_store %arg14[%swap3A_368], %swap3A_371 {strides = array<i32>} : memref<208xf32, #tpu.memory_space<vmem>>, vector<16xf32>,
      %swap3A_372 = arith.constant 48 : index
      %swap3A_373 = tpu.vector_load %arg15[%swap3A_372] {strides = array<i32>} : memref<208xi32, #tpu.memory_space<vmem>>, vector<16xi32>,
      %swap3A_374 = vector.shape_cast %swap3A_373 : vector<16xi32> to vector<16xi32>
      %swap3A_375 = vector.shape_cast %broadcast_in_dim3A_325 : vector<16xi32> to vector<16xi32>
      tpu.vector_store %arg15[%swap3A_372], %swap3A_375 {strides = array<i32>} : memref<208xi32, #tpu.memory_space<vmem>>, vector<16xi32>,
      %swap3A_376 = arith.constant 64 : index
      %swap3A_377 = tpu.vector_load %arg13[%swap3A_376] {strides = array<i32>} : memref<208xi32, #tpu.memory_space<vmem>>, vector<16xi32>,
      %swap3A_378 = vector.shape_cast %swap3A_377 : vector<16xi32> to vector<16xi32>
      %swap3A_379 = vector.shape_cast %broadcast_in_dim3A_325 : vector<16xi32> to vector<16xi32>
      tpu.vector_store %arg13[%swap3A_376], %swap3A_379 {strides = array<i32>} : memref<208xi32, #tpu.memory_space<vmem>>, vector<16xi32>,
      %swap3A_380 = arith.constant 64 : index
      %swap3A_381 = tpu.vector_load %arg14[%swap3A_380] {strides = array<i32>} : memref<208xf32, #tpu.memory_space<vmem>>, vector<16xf32>,
      %swap3A_382 = vector.shape_cast %swap3A_381 : vector<16xf32> to vector<16xf32>
      %swap3A_383 = vector.shape_cast %broadcast_in_dim3A_327 : vector<16xf32> to vector<16xf32>
      tpu.vector_store %arg14[%swap3A_380], %swap3A_383 {strides = array<i32>} : memref<208xf32, #tpu.memory_space<vmem>>, vector<16xf32>,
      %swap3A_384 = arith.constant 64 : index
      %swap3A_385 = tpu.vector_load %arg15[%swap3A_384] {strides = array<i32>} : memref<208xi32, #tpu.memory_space<vmem>>, vector<16xi32>,
      %swap3A_386 = vector.shape_cast %swap3A_385 : vector<16xi32> to vector<16xi32>
      %swap3A_387 = vector.shape_cast %broadcast_in_dim3A_325 : vector<16xi32> to vector<16xi32>
      tpu.vector_store %arg15[%swap3A_384], %swap3A_387 {strides = array<i32>} : memref<208xi32, #tpu.memory_space<vmem>>, vector<16xi32>,
      %swap3A_388 = arith.constant 80 : index
      %swap3A_389 = tpu.vector_load %arg13[%swap3A_388] {strides = array<i32>} : memref<208xi32, #tpu.memory_space<vmem>>, vector<16xi32>,
      %swap3A_390 = vector.shape_cast %swap3A_389 : vector<16xi32> to vector<16xi32>
      %swap3A_391 = vector.shape_cast %broadcast_in_dim3A_325 : vector<16xi32> to vector<16xi32>
      tpu.vector_store %arg13[%swap3A_388], %swap3A_391 {strides = array<i32>} : memref<208xi32, #tpu.memory_space<vmem>>, vector<16xi32>,
      %swap3A_392 = arith.constant 80 : index
      %swap3A_393 = tpu.vector_load %arg14[%swap3A_392] {strides = array<i32>} : memref<208xf32, #tpu.memory_space<vmem>>, vector<16xf32>,
      %swap3A_394 = vector.shape_cast %swap3A_393 : vector<16xf32> to vector<16xf32>
      %swap3A_395 = vector.shape_cast %broadcast_in_dim3A_327 : vector<16xf32> to vector<16xf32>
      tpu.vector_store %arg14[%swap3A_392], %swap3A_395 {strides = array<i32>} : memref<208xf32, #tpu.memory_space<vmem>>, vector<16xf32>,
      %swap3A_396 = arith.constant 80 : index
      %swap3A_397 = tpu.vector_load %arg15[%swap3A_396] {strides = array<i32>} : memref<208xi32, #tpu.memory_space<vmem>>, vector<16xi32>,
      %swap3A_398 = vector.shape_cast %swap3A_397 : vector<16xi32> to vector<16xi32>
      %swap3A_399 = vector.shape_cast %broadcast_in_dim3A_325 : vector<16xi32> to vector<16xi32>
      tpu.vector_store %arg15[%swap3A_396], %swap3A_399 {strides = array<i32>} : memref<208xi32, #tpu.memory_space<vmem>>, vector<16xi32>,
      %swap3A_400 = arith.constant 96 : index
      %swap3A_401 = tpu.vector_load %arg13[%swap3A_400] {strides = array<i32>} : memref<208xi32, #tpu.memory_space<vmem>>, vector<16xi32>,
      %swap3A_402 = vector.shape_cast %swap3A_401 : vector<16xi32> to vector<16xi32>
      %swap3A_403 = vector.shape_cast %broadcast_in_dim3A_325 : vector<16xi32> to vector<16xi32>
      tpu.vector_store %arg13[%swap3A_400], %swap3A_403 {strides = array<i32>} : memref<208xi32, #tpu.memory_space<vmem>>, vector<16xi32>,
      %swap3A_404 = arith.constant 96 : index
      %swap3A_405 = tpu.vector_load %arg14[%swap3A_404] {strides = array<i32>} : memref<208xf32, #tpu.memory_space<vmem>>, vector<16xf32>,
      %swap3A_406 = vector.shape_cast %swap3A_405 : vector<16xf32> to vector<16xf32>
      %swap3A_407 = vector.shape_cast %broadcast_in_dim3A_327 : vector<16xf32> to vector<16xf32>
      tpu.vector_store %arg14[%swap3A_404], %swap3A_407 {strides = array<i32>} : memref<208xf32, #tpu.memory_space<vmem>>, vector<16xf32>,
      %swap3A_408 = arith.constant 96 : index
      %swap3A_409 = tpu.vector_load %arg15[%swap3A_408] {strides = array<i32>} : memref<208xi32, #tpu.memory_space<vmem>>, vector<16xi32>,
      %swap3A_410 = vector.shape_cast %swap3A_409 : vector<16xi32> to vector<16xi32>
      %swap3A_411 = vector.shape_cast %broadcast_in_dim3A_325 : vector<16xi32> to vector<16xi32>
      tpu.vector_store %arg15[%swap3A_408], %swap3A_411 {strides = array<i32>} : memref<208xi32, #tpu.memory_space<vmem>>, vector<16xi32>,
      %swap3A_412 = arith.constant 112 : index
      %swap3A_413 = tpu.vector_load %arg13[%swap3A_412] {strides = array<i32>} : memref<208xi32, #tpu.memory_space<vmem>>, vector<16xi32>,
      %swap3A_414 = vector.shape_cast %swap3A_413 : vector<16xi32> to vector<16xi32>
      %swap3A_415 = vector.shape_cast %broadcast_in_dim3A_325 : vector<16xi32> to vector<16xi32>
      tpu.vector_store %arg13[%swap3A_412], %swap3A_415 {strides = array<i32>} : memref<208xi32, #tpu.memory_space<vmem>>, vector<16xi32>,
      %swap3A_416 = arith.constant 112 : index
      %swap3A_417 = tpu.vector_load %arg14[%swap3A_416] {strides = array<i32>} : memref<208xf32, #tpu.memory_space<vmem>>, vector<16xf32>,
      %swap3A_418 = vector.shape_cast %swap3A_417 : vector<16xf32> to vector<16xf32>
      %swap3A_419 = vector.shape_cast %broadcast_in_dim3A_327 : vector<16xf32> to vector<16xf32>
      tpu.vector_store %arg14[%swap3A_416], %swap3A_419 {strides = array<i32>} : memref<208xf32, #tpu.memory_space<vmem>>, vector<16xf32>,
      %swap3A_420 = arith.constant 112 : index
      %swap3A_421 = tpu.vector_load %arg15[%swap3A_420] {strides = array<i32>} : memref<208xi32, #tpu.memory_space<vmem>>, vector<16xi32>,
      %swap3A_422 = vector.shape_cast %swap3A_421 : vector<16xi32> to vector<16xi32>
      %swap3A_423 = vector.shape_cast %broadcast_in_dim3A_325 : vector<16xi32> to vector<16xi32>
      tpu.vector_store %arg15[%swap3A_420], %swap3A_423 {strides = array<i32>} : memref<208xi32, #tpu.memory_space<vmem>>, vector<16xi32>,
      %swap3A_424 = arith.constant 128 : index
      %swap3A_425 = tpu.vector_load %arg13[%swap3A_424] {strides = array<i32>} : memref<208xi32, #tpu.memory_space<vmem>>, vector<16xi32>,
      %swap3A_426 = vector.shape_cast %swap3A_425 : vector<16xi32> to vector<16xi32>
      %swap3A_427 = vector.shape_cast %broadcast_in_dim3A_325 : vector<16xi32> to vector<16xi32>
      tpu.vector_store %arg13[%swap3A_424], %swap3A_427 {strides = array<i32>} : memref<208xi32, #tpu.memory_space<vmem>>, vector<16xi32>,
      %swap3A_428 = arith.constant 128 : index
      %swap3A_429 = tpu.vector_load %arg14[%swap3A_428] {strides = array<i32>} : memref<208xf32, #tpu.memory_space<vmem>>, vector<16xf32>,
      %swap3A_430 = vector.shape_cast %swap3A_429 : vector<16xf32> to vector<16xf32>
      %swap3A_431 = vector.shape_cast %broadcast_in_dim3A_327 : vector<16xf32> to vector<16xf32>
      tpu.vector_store %arg14[%swap3A_428], %swap3A_431 {strides = array<i32>} : memref<208xf32, #tpu.memory_space<vmem>>, vector<16xf32>,
      %swap3A_432 = arith.constant 128 : index
      %swap3A_433 = tpu.vector_load %arg15[%swap3A_432] {strides = array<i32>} : memref<208xi32, #tpu.memory_space<vmem>>, vector<16xi32>,
      %swap3A_434 = vector.shape_cast %swap3A_433 : vector<16xi32> to vector<16xi32>
      %swap3A_435 = vector.shape_cast %broadcast_in_dim3A_325 : vector<16xi32> to vector<16xi32>
      tpu.vector_store %arg15[%swap3A_432], %swap3A_435 {strides = array<i32>} : memref<208xi32, #tpu.memory_space<vmem>>, vector<16xi32>,
      %swap3A_436 = arith.constant 144 : index
      %swap3A_437 = tpu.vector_load %arg13[%swap3A_436] {strides = array<i32>} : memref<208xi32, #tpu.memory_space<vmem>>, vector<16xi32>,
      %swap3A_438 = vector.shape_cast %swap3A_437 : vector<16xi32> to vector<16xi32>
      %swap3A_439 = vector.shape_cast %broadcast_in_dim3A_325 : vector<16xi32> to vector<16xi32>
      tpu.vector_store %arg13[%swap3A_436], %swap3A_439 {strides = array<i32>} : memref<208xi32, #tpu.memory_space<vmem>>, vector<16xi32>,
      %swap3A_440 = arith.constant 144 : index
      %swap3A_441 = tpu.vector_load %arg14[%swap3A_440] {strides = array<i32>} : memref<208xf32, #tpu.memory_space<vmem>>, vector<16xf32>,
      %swap3A_442 = vector.shape_cast %swap3A_441 : vector<16xf32> to vector<16xf32>
      %swap3A_443 = vector.shape_cast %broadcast_in_dim3A_327 : vector<16xf32> to vector<16xf32>
      tpu.vector_store %arg14[%swap3A_440], %swap3A_443 {strides = array<i32>} : memref<208xf32, #tpu.memory_space<vmem>>, vector<16xf32>,
      %swap3A_444 = arith.constant 144 : index
      %swap3A_445 = tpu.vector_load %arg15[%swap3A_444] {strides = array<i32>} : memref<208xi32, #tpu.memory_space<vmem>>, vector<16xi32>,
      %swap3A_446 = vector.shape_cast %swap3A_445 : vector<16xi32> to vector<16xi32>
      %swap3A_447 = vector.shape_cast %broadcast_in_dim3A_325 : vector<16xi32> to vector<16xi32>
      tpu.vector_store %arg15[%swap3A_444], %swap3A_447 {strides = array<i32>} : memref<208xi32, #tpu.memory_space<vmem>>, vector<16xi32>,
      %swap3A_448 = arith.constant 160 : index
      %swap3A_449 = tpu.vector_load %arg13[%swap3A_448] {strides = array<i32>} : memref<208xi32, #tpu.memory_space<vmem>>, vector<16xi32>,
      %swap3A_450 = vector.shape_cast %swap3A_449 : vector<16xi32> to vector<16xi32>
      %swap3A_451 = vector.shape_cast %broadcast_in_dim3A_325 : vector<16xi32> to vector<16xi32>
      tpu.vector_store %arg13[%swap3A_448], %swap3A_451 {strides = array<i32>} : memref<208xi32, #tpu.memory_space<vmem>>, vector<16xi32>,
      %swap3A_452 = arith.constant 160 : index
      %swap3A_453 = tpu.vector_load %arg14[%swap3A_452] {strides = array<i32>} : memref<208xf32, #tpu.memory_space<vmem>>, vector<16xf32>,
      %swap3A_454 = vector.shape_cast %swap3A_453 : vector<16xf32> to vector<16xf32>
      %swap3A_455 = vector.shape_cast %broadcast_in_dim3A_327 : vector<16xf32> to vector<16xf32>
      tpu.vector_store %arg14[%swap3A_452], %swap3A_455 {strides = array<i32>} : memref<208xf32, #tpu.memory_space<vmem>>, vector<16xf32>,
      %swap3A_456 = arith.constant 160 : index
      %swap3A_457 = tpu.vector_load %arg15[%swap3A_456] {strides = array<i32>} : memref<208xi32, #tpu.memory_space<vmem>>, vector<16xi32>,
      %swap3A_458 = vector.shape_cast %swap3A_457 : vector<16xi32> to vector<16xi32>
      %swap3A_459 = vector.shape_cast %broadcast_in_dim3A_325 : vector<16xi32> to vector<16xi32>
      tpu.vector_store %arg15[%swap3A_456], %swap3A_459 {strides = array<i32>} : memref<208xi32, #tpu.memory_space<vmem>>, vector<16xi32>,
      %swap3A_460 = arith.constant 176 : index
      %swap3A_461 = tpu.vector_load %arg13[%swap3A_460] {strides = array<i32>} : memref<208xi32, #tpu.memory_space<vmem>>, vector<16xi32>,
      %swap3A_462 = vector.shape_cast %swap3A_461 : vector<16xi32> to vector<16xi32>
      %swap3A_463 = vector.shape_cast %broadcast_in_dim3A_325 : vector<16xi32> to vector<16xi32>
      tpu.vector_store %arg13[%swap3A_460], %swap3A_463 {strides = array<i32>} : memref<208xi32, #tpu.memory_space<vmem>>, vector<16xi32>,
      %swap3A_464 = arith.constant 176 : index
      %swap3A_465 = tpu.vector_load %arg14[%swap3A_464] {strides = array<i32>} : memref<208xf32, #tpu.memory_space<vmem>>, vector<16xf32>,
      %swap3A_466 = vector.shape_cast %swap3A_465 : vector<16xf32> to vector<16xf32>
      %swap3A_467 = vector.shape_cast %broadcast_in_dim3A_327 : vector<16xf32> to vector<16xf32>
      tpu.vector_store %arg14[%swap3A_464], %swap3A_467 {strides = array<i32>} : memref<208xf32, #tpu.memory_space<vmem>>, vector<16xf32>,
      %swap3A_468 = arith.constant 176 : index
      %swap3A_469 = tpu.vector_load %arg15[%swap3A_468] {strides = array<i32>} : memref<208xi32, #tpu.memory_space<vmem>>, vector<16xi32>,
      %swap3A_470 = vector.shape_cast %swap3A_469 : vector<16xi32> to vector<16xi32>
      %swap3A_471 = vector.shape_cast %broadcast_in_dim3A_325 : vector<16xi32> to vector<16xi32>
      tpu.vector_store %arg15[%swap3A_468], %swap3A_471 {strides = array<i32>} : memref<208xi32, #tpu.memory_space<vmem>>, vector<16xi32>,
      %swap3A_472 = arith.constant 192 : index
      %swap3A_473 = tpu.vector_load %arg13[%swap3A_472] {strides = array<i32>} : memref<208xi32, #tpu.memory_space<vmem>>, vector<16xi32>,
      %swap3A_474 = vector.shape_cast %swap3A_473 : vector<16xi32> to vector<16xi32>
      %swap3A_475 = vector.shape_cast %broadcast_in_dim3A_325 : vector<16xi32> to vector<16xi32>
      tpu.vector_store %arg13[%swap3A_472], %swap3A_475 {strides = array<i32>} : memref<208xi32, #tpu.memory_space<vmem>>, vector<16xi32>,
      %swap3A_476 = arith.constant 192 : index
      %swap3A_477 = tpu.vector_load %arg14[%swap3A_476] {strides = array<i32>} : memref<208xf32, #tpu.memory_space<vmem>>, vector<16xf32>,
      %swap3A_478 = vector.shape_cast %swap3A_477 : vector<16xf32> to vector<16xf32>
      %swap3A_479 = vector.shape_cast %broadcast_in_dim3A_327 : vector<16xf32> to vector<16xf32>
      tpu.vector_store %arg14[%swap3A_476], %swap3A_479 {strides = array<i32>} : memref<208xf32, #tpu.memory_space<vmem>>, vector<16xf32>,
      %swap3A_480 = arith.constant 192 : index
      %swap3A_481 = tpu.vector_load %arg15[%swap3A_480] {strides = array<i32>} : memref<208xi32, #tpu.memory_space<vmem>>, vector<16xi32>,
      %swap3A_482 = vector.shape_cast %swap3A_481 : vector<16xi32> to vector<16xi32>
      %swap3A_483 = vector.shape_cast %broadcast_in_dim3A_325 : vector<16xi32> to vector<16xi32>
      tpu.vector_store %arg15[%swap3A_480], %swap3A_483 {strides = array<i32>} : memref<208xi32, #tpu.memory_space<vmem>>, vector<16xi32>,
      %dma_wait3A_484 = arith.constant 0 : i32
      %dma_wait3A_485 = arith.constant 0 : i32
      %dma_wait3A_486 = tpu.memref_slice %arg16[%dma_wait3A_484, %dma_wait3A_485] : memref<208x128xf32, #tpu.memory_space<vmem>> -> memref<104x128xf32, #tpu.memory_space<vmem>>
      %dma_wait3A_487 = arith.constant 0 : i32
      %dma_wait3A_488 = tpu.memref_slice %arg10[%dma_wait3A_487] : memref<208xi32, #tpu.memory_space<vmem>> -> memref<104xi32, #tpu.memory_space<vmem>>
      %dma_wait3A_489 = arith.constant 0 : i32
      %dma_wait3A_490 = arith.constant 0 : i32
      %dma_wait3A_491 = tpu.memref_slice %arg4[%dma_wait3A_489, %dma_wait3A_490] : memref<100000x128xf32, #tpu.memory_space<hbm>> -> memref<100000x128xf32, #tpu.memory_space<hbm>>
      tpu.wait_indirect_dma semaphore(%arg19 : memref<!tpu.dma_semaphore, #tpu.memory_space<semaphore_mem>>) src(%dma_wait3A_491 : memref<100000x128xf32, #tpu.memory_space<hbm>>) dst(%dma_wait3A_486 : memref<104x128xf32, #tpu.memory_space<vmem>>)
      %dma_wait3A_492 = arith.constant 104 : i32
      %dma_wait3A_493 = arith.constant 0 : i32
      %dma_wait3A_494 = tpu.memref_slice %arg16[%dma_wait3A_492, %dma_wait3A_493] : memref<208x128xf32, #tpu.memory_space<vmem>> -> memref<104x128xf32, #tpu.memory_space<vmem>>
      %dma_wait3A_495 = arith.constant 104 : i32
      %dma_wait3A_496 = tpu.memref_slice %arg10[%dma_wait3A_495] : memref<208xi32, #tpu.memory_space<vmem>> -> memref<104xi32, #tpu.memory_space<vmem>>
      %dma_wait3A_497 = arith.constant 0 : i32
      %dma_wait3A_498 = arith.constant 0 : i32
      %dma_wait3A_499 = tpu.memref_slice %arg4[%dma_wait3A_497, %dma_wait3A_498] : memref<100000x128xf32, #tpu.memory_space<hbm>> -> memref<100000x128xf32, #tpu.memory_space<hbm>>
      tpu.wait_indirect_dma semaphore(%arg19 : memref<!tpu.dma_semaphore, #tpu.memory_space<semaphore_mem>>) src(%dma_wait3A_499 : memref<100000x128xf32, #tpu.memory_space<hbm>>) dst(%dma_wait3A_494 : memref<104x128xf32, #tpu.memory_space<vmem>>)
      %dma_wait3A_500 = arith.constant 0 : i32
      %dma_wait3A_501 = arith.constant 0 : i32
      %dma_wait3A_502 = tpu.memref_slice %arg17[%dma_wait3A_500, %dma_wait3A_501] : memref<208x128xf32, #tpu.memory_space<vmem>> -> memref<104x128xf32, #tpu.memory_space<vmem>>
      %dma_wait3A_503 = arith.constant 0 : i32
      %dma_wait3A_504 = tpu.memref_slice %arg12[%dma_wait3A_503] : memref<208xi32, #tpu.memory_space<vmem>> -> memref<104xi32, #tpu.memory_space<vmem>>
      %dma_wait3A_505 = arith.constant 0 : i32
      %dma_wait3A_506 = arith.constant 0 : i32
      %dma_wait3A_507 = tpu.memref_slice %arg3[%dma_wait3A_505, %dma_wait3A_506] : memref<1564x128xf32, #tpu.memory_space<hbm>> -> memref<1564x128xf32, #tpu.memory_space<hbm>>
      tpu.wait_indirect_dma semaphore(%arg19 : memref<!tpu.dma_semaphore, #tpu.memory_space<semaphore_mem>>) src(%dma_wait3A_507 : memref<1564x128xf32, #tpu.memory_space<hbm>>) dst(%dma_wait3A_502 : memref<104x128xf32, #tpu.memory_space<vmem>>)
      %dma_wait3A_508 = arith.constant 104 : i32
      %dma_wait3A_509 = arith.constant 0 : i32
      %dma_wait3A_510 = tpu.memref_slice %arg17[%dma_wait3A_508, %dma_wait3A_509] : memref<208x128xf32, #tpu.memory_space<vmem>> -> memref<104x128xf32, #tpu.memory_space<vmem>>
      %dma_wait3A_511 = arith.constant 104 : i32
      %dma_wait3A_512 = tpu.memref_slice %arg12[%dma_wait3A_511] : memref<208xi32, #tpu.memory_space<vmem>> -> memref<104xi32, #tpu.memory_space<vmem>>
      %dma_wait3A_513 = arith.constant 0 : i32
      %dma_wait3A_514 = arith.constant 0 : i32
      %dma_wait3A_515 = tpu.memref_slice %arg3[%dma_wait3A_513, %dma_wait3A_514] : memref<1564x128xf32, #tpu.memory_space<hbm>> -> memref<1564x128xf32, #tpu.memory_space<hbm>>
      tpu.wait_indirect_dma semaphore(%arg19 : memref<!tpu.dma_semaphore, #tpu.memory_space<semaphore_mem>>) src(%dma_wait3A_515 : memref<1564x128xf32, #tpu.memory_space<hbm>>) dst(%dma_wait3A_510 : memref<104x128xf32, #tpu.memory_space<vmem>>)
      %gt3A = arith.constant 0 : i32
      %gt3A_516 = arith.cmpi sgt, %scan3A_148, %gt3A : i32
      %convert_element_type3A = arith.extui %gt3A_516 : i1 to i32
      %cond3A = arith.constant 0 : i32
      %cond3A_517 = arith.cmpi ne, %convert_element_type3A, %cond3A : i32
      scf.if %cond3A_517 {
        %dma_wait3A_942 = arith.constant 0 : i32
        %dma_wait3A_943 = arith.constant 0 : i32
        %dma_wait3A_944 = tpu.memref_slice %arg18[%dma_wait3A_942, %dma_wait3A_943] : memref<208x128xf32, #tpu.memory_space<vmem>> -> memref<200x128xf32, #tpu.memory_space<vmem>>
        %dma_wait3A_945 = arith.constant 0 : i32
        %dma_wait3A_946 = arith.constant 0 : i32
        %dma_wait3A_947 = tpu.memref_slice %arg7[%dma_wait3A_945, %dma_wait3A_946] : memref<204800x128xf32, #tpu.memory_space<hbm>> -> memref<200x128xf32, #tpu.memory_space<hbm>>
        %dma_wait3A_948 = arith.constant 0 : i32
        %dma_wait3A_949 = arith.constant 0 : i32
        %dma_wait3A_950 = tpu.memref_slice %arg7[%dma_wait3A_948, %dma_wait3A_949] : memref<204800x128xf32, #tpu.memory_space<hbm>> -> memref<200x128xf32, #tpu.memory_space<hbm>>
        %dma_wait3A_951 = arith.constant 0 : i32
        %dma_wait3A_952 = arith.constant 0 : i32
        %dma_wait3A_953 = tpu.memref_slice %arg18[%dma_wait3A_951, %dma_wait3A_952] : memref<208x128xf32, #tpu.memory_space<vmem>> -> memref<200x128xf32, #tpu.memory_space<vmem>>
        tpu.wait_dma2 semaphore(%arg21 : memref<!tpu.dma_semaphore, #tpu.memory_space<semaphore_mem>>) src(%dma_wait3A_953 : memref<200x128xf32, #tpu.memory_space<vmem>>) dst(%dma_wait3A_950 : memref<200x128xf32, #tpu.memory_space<hbm>>)
      } else {
      }
      %mul3A_518 = arith.constant 200 : i32
      %mul3A_519 = arith.muli %add3A_151, %mul3A_518 : i32
      %dma_start3A_520 = arith.constant 0 : i32
      %dma_start3A_521 = arith.constant 0 : i32
      %dma_start3A_522 = tpu.memref_slice %arg18[%dma_start3A_520, %dma_start3A_521] : memref<208x128xf32, #tpu.memory_space<vmem>> -> memref<200x128xf32, #tpu.memory_space<vmem>>
      %dma_start3A_523 = arith.constant 0 : i32
      %dma_start3A_524 = tpu.memref_slice %arg7[%mul3A_519, %dma_start3A_523] : memref<204800x128xf32, #tpu.memory_space<hbm>> -> memref<200x128xf32, #tpu.memory_space<hbm>>
      %dma_start3A_525 = arith.constant 0 : i32
      %dma_start3A_526 = tpu.memref_slice %arg7[%mul3A_519, %dma_start3A_525] : memref<204800x128xf32, #tpu.memory_space<hbm>> -> memref<200x128xf32, #tpu.memory_space<hbm>>
      %dma_start3A_527 = arith.constant 0 : i32
      %dma_start3A_528 = arith.constant 0 : i32
      %dma_start3A_529 = tpu.memref_slice %arg18[%dma_start3A_527, %dma_start3A_528] : memref<208x128xf32, #tpu.memory_space<vmem>> -> memref<200x128xf32, #tpu.memory_space<vmem>>
      tpu.enqueue_dma source(%dma_start3A_529 : memref<200x128xf32, #tpu.memory_space<vmem>>) target(%dma_start3A_526 : memref<200x128xf32, #tpu.memory_space<hbm>>) target_semaphore(%arg21 : memref<!tpu.dma_semaphore, #tpu.memory_space<semaphore_mem>>)
      %dma_wait3A_530 = arith.constant 0 : i32
      %dma_wait3A_531 = tpu.memref_slice %arg11[%dma_wait3A_530] : memref<208xi32, #tpu.memory_space<vmem>> -> memref<200xi32, #tpu.memory_space<vmem>>
      %dma_wait3A_532 = arith.constant 0 : i32
      %dma_wait3A_533 = tpu.memref_slice %arg2[%dma_wait3A_532] : memref<204800xi32, #tpu.memory_space<hbm>> -> memref<200xi32, #tpu.memory_space<hbm>>
      %dma_wait3A_534 = arith.constant 0 : i32
      %dma_wait3A_535 = tpu.memref_slice %arg11[%dma_wait3A_534] : memref<208xi32, #tpu.memory_space<vmem>> -> memref<200xi32, #tpu.memory_space<vmem>>
      %dma_wait3A_536 = arith.constant 0 : i32
      %dma_wait3A_537 = tpu.memref_slice %arg2[%dma_wait3A_536] : memref<204800xi32, #tpu.memory_space<hbm>> -> memref<200xi32, #tpu.memory_space<hbm>>
      tpu.wait_dma2 semaphore(%arg20 : memref<!tpu.dma_semaphore, #tpu.memory_space<semaphore_mem>>) src(%dma_wait3A_537 : memref<200xi32, #tpu.memory_space<hbm>>) dst(%dma_wait3A_535 : memref<200xi32, #tpu.memory_space<vmem>>)
      %mul3A_538 = arith.constant 2 : i32
      %mul3A_539 = arith.muli %scan3A_148, %mul3A_538 : i32
      %add3A_540 = arith.constant 1 : i32
      %add3A_541 = arith.addi %mul3A_539, %add3A_540 : i32
      %add3A_542 = arith.addi %mul3A_2, %add3A_541 : i32
      %add3A_543 = arith.constant 1 : i32
      %add3A_544 = arith.addi %add3A_541, %add3A_543 : i32
      %min3A_545 = arith.constant 31 : i32
      %min3A_546 = arith.minsi %add3A_544, %min3A_545 : i32
      %add3A_547 = arith.addi %mul3A_2, %min3A_546 : i32
      %mul3A_548 = arith.constant 200 : i32
      %mul3A_549 = arith.muli %add3A_547, %mul3A_548 : i32
      %dma_start3A_550 = arith.constant 0 : i32
      %dma_start3A_551 = tpu.memref_slice %arg10[%dma_start3A_550] : memref<208xi32, #tpu.memory_space<vmem>> -> memref<200xi32, #tpu.memory_space<vmem>>
      %dma_start3A_552 = tpu.memref_slice %arg2[%mul3A_549] : memref<204800xi32, #tpu.memory_space<hbm>> -> memref<200xi32, #tpu.memory_space<hbm>>
      %dma_start3A_553 = arith.constant 0 : i32
      %dma_start3A_554 = tpu.memref_slice %arg10[%dma_start3A_553] : memref<208xi32, #tpu.memory_space<vmem>> -> memref<200xi32, #tpu.memory_space<vmem>>
      %dma_start3A_555 = tpu.memref_slice %arg2[%mul3A_549] : memref<204800xi32, #tpu.memory_space<hbm>> -> memref<200xi32, #tpu.memory_space<hbm>>
      tpu.enqueue_dma source(%dma_start3A_555 : memref<200xi32, #tpu.memory_space<hbm>>) target(%dma_start3A_554 : memref<200xi32, #tpu.memory_space<vmem>>) target_semaphore(%arg20 : memref<!tpu.dma_semaphore, #tpu.memory_space<semaphore_mem>>)
      %get3A_556 = arith.constant 0 : index
      %get3A_557 = tpu.vector_load %arg11[%get3A_556] {strides = array<i32>} : memref<208xi32, #tpu.memory_space<vmem>>, vector<16xi32>,
      %get3A_558 = vector.shape_cast %get3A_557 : vector<16xi32> to vector<16xi32>
      %shift_right_logical3A_559 = arith.constant 6 : i32
      %shift_right_logical3A_560 = vector.broadcast %shift_right_logical3A_559 : i32 to vector<16xi32>
      %shift_right_logical3A_561 = arith.shrui %get3A_558, %shift_right_logical3A_560 : vector<16xi32>
      %swap3A_562 = arith.constant 0 : index
      %swap3A_563 = tpu.vector_load %arg12[%swap3A_562] {strides = array<i32>} : memref<208xi32, #tpu.memory_space<vmem>>, vector<16xi32>,
      %swap3A_564 = vector.shape_cast %swap3A_563 : vector<16xi32> to vector<16xi32>
      %swap3A_565 = vector.shape_cast %shift_right_logical3A_561 : vector<16xi32> to vector<16xi32>
      tpu.vector_store %arg12[%swap3A_562], %swap3A_565 {strides = array<i32>} : memref<208xi32, #tpu.memory_space<vmem>>, vector<16xi32>,
      %get3A_566 = arith.constant 16 : index
      %get3A_567 = tpu.vector_load %arg11[%get3A_566] {strides = array<i32>} : memref<208xi32, #tpu.memory_space<vmem>>, vector<16xi32>,
      %get3A_568 = vector.shape_cast %get3A_567 : vector<16xi32> to vector<16xi32>
      %shift_right_logical3A_569 = arith.constant 6 : i32
      %shift_right_logical3A_570 = vector.broadcast %shift_right_logical3A_569 : i32 to vector<16xi32>
      %shift_right_logical3A_571 = arith.shrui %get3A_568, %shift_right_logical3A_570 : vector<16xi32>
      %swap3A_572 = arith.constant 16 : index
      %swap3A_573 = tpu.vector_load %arg12[%swap3A_572] {strides = array<i32>} : memref<208xi32, #tpu.memory_space<vmem>>, vector<16xi32>,
      %swap3A_574 = vector.shape_cast %swap3A_573 : vector<16xi32> to vector<16xi32>
      %swap3A_575 = vector.shape_cast %shift_right_logical3A_571 : vector<16xi32> to vector<16xi32>
      tpu.vector_store %arg12[%swap3A_572], %swap3A_575 {strides = array<i32>} : memref<208xi32, #tpu.memory_space<vmem>>, vector<16xi32>,
      %get3A_576 = arith.constant 32 : index
      %get3A_577 = tpu.vector_load %arg11[%get3A_576] {strides = array<i32>} : memref<208xi32, #tpu.memory_space<vmem>>, vector<16xi32>,
      %get3A_578 = vector.shape_cast %get3A_577 : vector<16xi32> to vector<16xi32>
      %shift_right_logical3A_579 = arith.constant 6 : i32
      %shift_right_logical3A_580 = vector.broadcast %shift_right_logical3A_579 : i32 to vector<16xi32>
      %shift_right_logical3A_581 = arith.shrui %get3A_578, %shift_right_logical3A_580 : vector<16xi32>
      %swap3A_582 = arith.constant 32 : index
      %swap3A_583 = tpu.vector_load %arg12[%swap3A_582] {strides = array<i32>} : memref<208xi32, #tpu.memory_space<vmem>>, vector<16xi32>,
      %swap3A_584 = vector.shape_cast %swap3A_583 : vector<16xi32> to vector<16xi32>
      %swap3A_585 = vector.shape_cast %shift_right_logical3A_581 : vector<16xi32> to vector<16xi32>
      tpu.vector_store %arg12[%swap3A_582], %swap3A_585 {strides = array<i32>} : memref<208xi32, #tpu.memory_space<vmem>>, vector<16xi32>,
      %get3A_586 = arith.constant 48 : index
      %get3A_587 = tpu.vector_load %arg11[%get3A_586] {strides = array<i32>} : memref<208xi32, #tpu.memory_space<vmem>>, vector<16xi32>,
      %get3A_588 = vector.shape_cast %get3A_587 : vector<16xi32> to vector<16xi32>
      %shift_right_logical3A_589 = arith.constant 6 : i32
      %shift_right_logical3A_590 = vector.broadcast %shift_right_logical3A_589 : i32 to vector<16xi32>
      %shift_right_logical3A_591 = arith.shrui %get3A_588, %shift_right_logical3A_590 : vector<16xi32>
      %swap3A_592 = arith.constant 48 : index
      %swap3A_593 = tpu.vector_load %arg12[%swap3A_592] {strides = array<i32>} : memref<208xi32, #tpu.memory_space<vmem>>, vector<16xi32>,
      %swap3A_594 = vector.shape_cast %swap3A_593 : vector<16xi32> to vector<16xi32>
      %swap3A_595 = vector.shape_cast %shift_right_logical3A_591 : vector<16xi32> to vector<16xi32>
      tpu.vector_store %arg12[%swap3A_592], %swap3A_595 {strides = array<i32>} : memref<208xi32, #tpu.memory_space<vmem>>, vector<16xi32>,
      %get3A_596 = arith.constant 64 : index
      %get3A_597 = tpu.vector_load %arg11[%get3A_596] {strides = array<i32>} : memref<208xi32, #tpu.memory_space<vmem>>, vector<16xi32>,
      %get3A_598 = vector.shape_cast %get3A_597 : vector<16xi32> to vector<16xi32>
      %shift_right_logical3A_599 = arith.constant 6 : i32
      %shift_right_logical3A_600 = vector.broadcast %shift_right_logical3A_599 : i32 to vector<16xi32>
      %shift_right_logical3A_601 = arith.shrui %get3A_598, %shift_right_logical3A_600 : vector<16xi32>
      %swap3A_602 = arith.constant 64 : index
      %swap3A_603 = tpu.vector_load %arg12[%swap3A_602] {strides = array<i32>} : memref<208xi32, #tpu.memory_space<vmem>>, vector<16xi32>,
      %swap3A_604 = vector.shape_cast %swap3A_603 : vector<16xi32> to vector<16xi32>
      %swap3A_605 = vector.shape_cast %shift_right_logical3A_601 : vector<16xi32> to vector<16xi32>
      tpu.vector_store %arg12[%swap3A_602], %swap3A_605 {strides = array<i32>} : memref<208xi32, #tpu.memory_space<vmem>>, vector<16xi32>,
      %get3A_606 = arith.constant 80 : index
      %get3A_607 = tpu.vector_load %arg11[%get3A_606] {strides = array<i32>} : memref<208xi32, #tpu.memory_space<vmem>>, vector<16xi32>,
      %get3A_608 = vector.shape_cast %get3A_607 : vector<16xi32> to vector<16xi32>
      %shift_right_logical3A_609 = arith.constant 6 : i32
      %shift_right_logical3A_610 = vector.broadcast %shift_right_logical3A_609 : i32 to vector<16xi32>
      %shift_right_logical3A_611 = arith.shrui %get3A_608, %shift_right_logical3A_610 : vector<16xi32>
      %swap3A_612 = arith.constant 80 : index
      %swap3A_613 = tpu.vector_load %arg12[%swap3A_612] {strides = array<i32>} : memref<208xi32, #tpu.memory_space<vmem>>, vector<16xi32>,
      %swap3A_614 = vector.shape_cast %swap3A_613 : vector<16xi32> to vector<16xi32>
      %swap3A_615 = vector.shape_cast %shift_right_logical3A_611 : vector<16xi32> to vector<16xi32>
      tpu.vector_store %arg12[%swap3A_612], %swap3A_615 {strides = array<i32>} : memref<208xi32, #tpu.memory_space<vmem>>, vector<16xi32>,
      %get3A_616 = arith.constant 96 : index
      %get3A_617 = tpu.vector_load %arg11[%get3A_616] {strides = array<i32>} : memref<208xi32, #tpu.memory_space<vmem>>, vector<16xi32>,
      %get3A_618 = vector.shape_cast %get3A_617 : vector<16xi32> to vector<16xi32>
      %shift_right_logical3A_619 = arith.constant 6 : i32
      %shift_right_logical3A_620 = vector.broadcast %shift_right_logical3A_619 : i32 to vector<16xi32>
      %shift_right_logical3A_621 = arith.shrui %get3A_618, %shift_right_logical3A_620 : vector<16xi32>
      %swap3A_622 = arith.constant 96 : index
      %swap3A_623 = tpu.vector_load %arg12[%swap3A_622] {strides = array<i32>} : memref<208xi32, #tpu.memory_space<vmem>>, vector<16xi32>,
      %swap3A_624 = vector.shape_cast %swap3A_623 : vector<16xi32> to vector<16xi32>
      %swap3A_625 = vector.shape_cast %shift_right_logical3A_621 : vector<16xi32> to vector<16xi32>
      tpu.vector_store %arg12[%swap3A_622], %swap3A_625 {strides = array<i32>} : memref<208xi32, #tpu.memory_space<vmem>>, vector<16xi32>,
      %get3A_626 = arith.constant 112 : index
      %get3A_627 = tpu.vector_load %arg11[%get3A_626] {strides = array<i32>} : memref<208xi32, #tpu.memory_space<vmem>>, vector<16xi32>,
      %get3A_628 = vector.shape_cast %get3A_627 : vector<16xi32> to vector<16xi32>
      %shift_right_logical3A_629 = arith.constant 6 : i32
      %shift_right_logical3A_630 = vector.broadcast %shift_right_logical3A_629 : i32 to vector<16xi32>
      %shift_right_logical3A_631 = arith.shrui %get3A_628, %shift_right_logical3A_630 : vector<16xi32>
      %swap3A_632 = arith.constant 112 : index
      %swap3A_633 = tpu.vector_load %arg12[%swap3A_632] {strides = array<i32>} : memref<208xi32, #tpu.memory_space<vmem>>, vector<16xi32>,
      %swap3A_634 = vector.shape_cast %swap3A_633 : vector<16xi32> to vector<16xi32>
      %swap3A_635 = vector.shape_cast %shift_right_logical3A_631 : vector<16xi32> to vector<16xi32>
      tpu.vector_store %arg12[%swap3A_632], %swap3A_635 {strides = array<i32>} : memref<208xi32, #tpu.memory_space<vmem>>, vector<16xi32>,
      %get3A_636 = arith.constant 128 : index
      %get3A_637 = tpu.vector_load %arg11[%get3A_636] {strides = array<i32>} : memref<208xi32, #tpu.memory_space<vmem>>, vector<16xi32>,
      %get3A_638 = vector.shape_cast %get3A_637 : vector<16xi32> to vector<16xi32>
      %shift_right_logical3A_639 = arith.constant 6 : i32
      %shift_right_logical3A_640 = vector.broadcast %shift_right_logical3A_639 : i32 to vector<16xi32>
      %shift_right_logical3A_641 = arith.shrui %get3A_638, %shift_right_logical3A_640 : vector<16xi32>
      %swap3A_642 = arith.constant 128 : index
      %swap3A_643 = tpu.vector_load %arg12[%swap3A_642] {strides = array<i32>} : memref<208xi32, #tpu.memory_space<vmem>>, vector<16xi32>,
      %swap3A_644 = vector.shape_cast %swap3A_643 : vector<16xi32> to vector<16xi32>
      %swap3A_645 = vector.shape_cast %shift_right_logical3A_641 : vector<16xi32> to vector<16xi32>
      tpu.vector_store %arg12[%swap3A_642], %swap3A_645 {strides = array<i32>} : memref<208xi32, #tpu.memory_space<vmem>>, vector<16xi32>,
      %get3A_646 = arith.constant 144 : index
      %get3A_647 = tpu.vector_load %arg11[%get3A_646] {strides = array<i32>} : memref<208xi32, #tpu.memory_space<vmem>>, vector<16xi32>,
      %get3A_648 = vector.shape_cast %get3A_647 : vector<16xi32> to vector<16xi32>
      %shift_right_logical3A_649 = arith.constant 6 : i32
      %shift_right_logical3A_650 = vector.broadcast %shift_right_logical3A_649 : i32 to vector<16xi32>
      %shift_right_logical3A_651 = arith.shrui %get3A_648, %shift_right_logical3A_650 : vector<16xi32>
      %swap3A_652 = arith.constant 144 : index
      %swap3A_653 = tpu.vector_load %arg12[%swap3A_652] {strides = array<i32>} : memref<208xi32, #tpu.memory_space<vmem>>, vector<16xi32>,
      %swap3A_654 = vector.shape_cast %swap3A_653 : vector<16xi32> to vector<16xi32>
      %swap3A_655 = vector.shape_cast %shift_right_logical3A_651 : vector<16xi32> to vector<16xi32>
      tpu.vector_store %arg12[%swap3A_652], %swap3A_655 {strides = array<i32>} : memref<208xi32, #tpu.memory_space<vmem>>, vector<16xi32>,
      %get3A_656 = arith.constant 160 : index
      %get3A_657 = tpu.vector_load %arg11[%get3A_656] {strides = array<i32>} : memref<208xi32, #tpu.memory_space<vmem>>, vector<16xi32>,
      %get3A_658 = vector.shape_cast %get3A_657 : vector<16xi32> to vector<16xi32>
      %shift_right_logical3A_659 = arith.constant 6 : i32
      %shift_right_logical3A_660 = vector.broadcast %shift_right_logical3A_659 : i32 to vector<16xi32>
      %shift_right_logical3A_661 = arith.shrui %get3A_658, %shift_right_logical3A_660 : vector<16xi32>
      %swap3A_662 = arith.constant 160 : index
      %swap3A_663 = tpu.vector_load %arg12[%swap3A_662] {strides = array<i32>} : memref<208xi32, #tpu.memory_space<vmem>>, vector<16xi32>,
      %swap3A_664 = vector.shape_cast %swap3A_663 : vector<16xi32> to vector<16xi32>
      %swap3A_665 = vector.shape_cast %shift_right_logical3A_661 : vector<16xi32> to vector<16xi32>
      tpu.vector_store %arg12[%swap3A_662], %swap3A_665 {strides = array<i32>} : memref<208xi32, #tpu.memory_space<vmem>>, vector<16xi32>,
      %get3A_666 = arith.constant 176 : index
      %get3A_667 = tpu.vector_load %arg11[%get3A_666] {strides = array<i32>} : memref<208xi32, #tpu.memory_space<vmem>>, vector<16xi32>,
      %get3A_668 = vector.shape_cast %get3A_667 : vector<16xi32> to vector<16xi32>
      %shift_right_logical3A_669 = arith.constant 6 : i32
      %shift_right_logical3A_670 = vector.broadcast %shift_right_logical3A_669 : i32 to vector<16xi32>
      %shift_right_logical3A_671 = arith.shrui %get3A_668, %shift_right_logical3A_670 : vector<16xi32>
      %swap3A_672 = arith.constant 176 : index
      %swap3A_673 = tpu.vector_load %arg12[%swap3A_672] {strides = array<i32>} : memref<208xi32, #tpu.memory_space<vmem>>, vector<16xi32>,
      %swap3A_674 = vector.shape_cast %swap3A_673 : vector<16xi32> to vector<16xi32>
      %swap3A_675 = vector.shape_cast %shift_right_logical3A_671 : vector<16xi32> to vector<16xi32>
      tpu.vector_store %arg12[%swap3A_672], %swap3A_675 {strides = array<i32>} : memref<208xi32, #tpu.memory_space<vmem>>, vector<16xi32>,
      %get3A_676 = arith.constant 192 : index
      %get3A_677 = tpu.vector_load %arg11[%get3A_676] {strides = array<i32>} : memref<208xi32, #tpu.memory_space<vmem>>, vector<16xi32>,
      %get3A_678 = vector.shape_cast %get3A_677 : vector<16xi32> to vector<16xi32>
      %shift_right_logical3A_679 = arith.constant 6 : i32
      %shift_right_logical3A_680 = vector.broadcast %shift_right_logical3A_679 : i32 to vector<16xi32>
      %shift_right_logical3A_681 = arith.shrui %get3A_678, %shift_right_logical3A_680 : vector<16xi32>
      %swap3A_682 = arith.constant 192 : index
      %swap3A_683 = tpu.vector_load %arg12[%swap3A_682] {strides = array<i32>} : memref<208xi32, #tpu.memory_space<vmem>>, vector<16xi32>,
      %swap3A_684 = vector.shape_cast %swap3A_683 : vector<16xi32> to vector<16xi32>
      %swap3A_685 = vector.shape_cast %shift_right_logical3A_681 : vector<16xi32> to vector<16xi32>
      tpu.vector_store %arg12[%swap3A_682], %swap3A_685 {strides = array<i32>} : memref<208xi32, #tpu.memory_space<vmem>>, vector<16xi32>,
      %dma_start3A_686 = arith.constant 0 : i32
      %dma_start3A_687 = arith.constant 0 : i32
      %dma_start3A_688 = tpu.memref_slice %arg16[%dma_start3A_686, %dma_start3A_687] : memref<208x128xf32, #tpu.memory_space<vmem>> -> memref<104x128xf32, #tpu.memory_space<vmem>>
      %dma_start3A_689 = arith.constant 0 : i32
      %dma_start3A_690 = tpu.memref_slice %arg11[%dma_start3A_689] : memref<208xi32, #tpu.memory_space<vmem>> -> memref<104xi32, #tpu.memory_space<vmem>>
      %dma_start3A_691 = arith.constant 0 : i32
      %dma_start3A_692 = arith.constant 0 : i32
      %dma_start3A_693 = tpu.memref_slice %arg4[%dma_start3A_691, %dma_start3A_692] : memref<100000x128xf32, #tpu.memory_space<hbm>> -> memref<100000x128xf32, #tpu.memory_space<hbm>>
      tpu.enqueue_indirect_dma source(%dma_start3A_693 : memref<100000x128xf32, #tpu.memory_space<hbm>>) target(%dma_start3A_688 : memref<104x128xf32, #tpu.memory_space<vmem>>) offsets(%dma_start3A_690 : memref<104xi32, #tpu.memory_space<vmem>>) semaphore(%arg19 : memref<!tpu.dma_semaphore, #tpu.memory_space<semaphore_mem>>)
      %dma_start3A_694 = arith.constant 104 : i32
      %dma_start3A_695 = arith.constant 0 : i32
      %dma_start3A_696 = tpu.memref_slice %arg16[%dma_start3A_694, %dma_start3A_695] : memref<208x128xf32, #tpu.memory_space<vmem>> -> memref<104x128xf32, #tpu.memory_space<vmem>>
      %dma_start3A_697 = arith.constant 104 : i32
      %dma_start3A_698 = tpu.memref_slice %arg11[%dma_start3A_697] : memref<208xi32, #tpu.memory_space<vmem>> -> memref<104xi32, #tpu.memory_space<vmem>>
      %dma_start3A_699 = arith.constant 0 : i32
      %dma_start3A_700 = arith.constant 0 : i32
      %dma_start3A_701 = tpu.memref_slice %arg4[%dma_start3A_699, %dma_start3A_700] : memref<100000x128xf32, #tpu.memory_space<hbm>> -> memref<100000x128xf32, #tpu.memory_space<hbm>>
      tpu.enqueue_indirect_dma source(%dma_start3A_701 : memref<100000x128xf32, #tpu.memory_space<hbm>>) target(%dma_start3A_696 : memref<104x128xf32, #tpu.memory_space<vmem>>) offsets(%dma_start3A_698 : memref<104xi32, #tpu.memory_space<vmem>>) semaphore(%arg19 : memref<!tpu.dma_semaphore, #tpu.memory_space<semaphore_mem>>)
      %dma_start3A_702 = arith.constant 0 : i32
      %dma_start3A_703 = arith.constant 0 : i32
      %dma_start3A_704 = tpu.memref_slice %arg17[%dma_start3A_702, %dma_start3A_703] : memref<208x128xf32, #tpu.memory_space<vmem>> -> memref<104x128xf32, #tpu.memory_space<vmem>>
      %dma_start3A_705 = arith.constant 0 : i32
      %dma_start3A_706 = tpu.memref_slice %arg12[%dma_start3A_705] : memref<208xi32, #tpu.memory_space<vmem>> -> memref<104xi32, #tpu.memory_space<vmem>>
      %dma_start3A_707 = arith.constant 0 : i32
      %dma_start3A_708 = arith.constant 0 : i32
      %dma_start3A_709 = tpu.memref_slice %arg3[%dma_start3A_707, %dma_start3A_708] : memref<1564x128xf32, #tpu.memory_space<hbm>> -> memref<1564x128xf32, #tpu.memory_space<hbm>>
      tpu.enqueue_indirect_dma source(%dma_start3A_709 : memref<1564x128xf32, #tpu.memory_space<hbm>>) target(%dma_start3A_704 : memref<104x128xf32, #tpu.memory_space<vmem>>) offsets(%dma_start3A_706 : memref<104xi32, #tpu.memory_space<vmem>>) semaphore(%arg19 : memref<!tpu.dma_semaphore, #tpu.memory_space<semaphore_mem>>)
      %dma_start3A_710 = arith.constant 104 : i32
      %dma_start3A_711 = arith.constant 0 : i32
      %dma_start3A_712 = tpu.memref_slice %arg17[%dma_start3A_710, %dma_start3A_711] : memref<208x128xf32, #tpu.memory_space<vmem>> -> memref<104x128xf32, #tpu.memory_space<vmem>>
      %dma_start3A_713 = arith.constant 104 : i32
      %dma_start3A_714 = tpu.memref_slice %arg12[%dma_start3A_713] : memref<208xi32, #tpu.memory_space<vmem>> -> memref<104xi32, #tpu.memory_space<vmem>>
      %dma_start3A_715 = arith.constant 0 : i32
      %dma_start3A_716 = arith.constant 0 : i32
      %dma_start3A_717 = tpu.memref_slice %arg3[%dma_start3A_715, %dma_start3A_716] : memref<1564x128xf32, #tpu.memory_space<hbm>> -> memref<1564x128xf32, #tpu.memory_space<hbm>>
      tpu.enqueue_indirect_dma source(%dma_start3A_717 : memref<1564x128xf32, #tpu.memory_space<hbm>>) target(%dma_start3A_712 : memref<104x128xf32, #tpu.memory_space<vmem>>) offsets(%dma_start3A_714 : memref<104xi32, #tpu.memory_space<vmem>>) semaphore(%arg19 : memref<!tpu.dma_semaphore, #tpu.memory_space<semaphore_mem>>)
      %broadcast_in_dim3A_718 = arith.constant 0 : i32
      %broadcast_in_dim3A_719 = vector.broadcast %broadcast_in_dim3A_718 : i32 to vector<16xi32>
      %broadcast_in_dim3A_720 = arith.constant 0.000000e+00 : f32
      %broadcast_in_dim3A_721 = vector.broadcast %broadcast_in_dim3A_720 : f32 to vector<16xf32>
      %swap3A_722 = arith.constant 0 : index
      %swap3A_723 = tpu.vector_load %arg13[%swap3A_722] {strides = array<i32>} : memref<208xi32, #tpu.memory_space<vmem>>, vector<16xi32>,
      %swap3A_724 = vector.shape_cast %swap3A_723 : vector<16xi32> to vector<16xi32>
      %swap3A_725 = vector.shape_cast %broadcast_in_dim3A_719 : vector<16xi32> to vector<16xi32>
      tpu.vector_store %arg13[%swap3A_722], %swap3A_725 {strides = array<i32>} : memref<208xi32, #tpu.memory_space<vmem>>, vector<16xi32>,
      %swap3A_726 = arith.constant 0 : index
      %swap3A_727 = tpu.vector_load %arg14[%swap3A_726] {strides = array<i32>} : memref<208xf32, #tpu.memory_space<vmem>>, vector<16xf32>,
      %swap3A_728 = vector.shape_cast %swap3A_727 : vector<16xf32> to vector<16xf32>
      %swap3A_729 = vector.shape_cast %broadcast_in_dim3A_721 : vector<16xf32> to vector<16xf32>
      tpu.vector_store %arg14[%swap3A_726], %swap3A_729 {strides = array<i32>} : memref<208xf32, #tpu.memory_space<vmem>>, vector<16xf32>,
      %swap3A_730 = arith.constant 0 : index
      %swap3A_731 = tpu.vector_load %arg15[%swap3A_730] {strides = array<i32>} : memref<208xi32, #tpu.memory_space<vmem>>, vector<16xi32>,
      %swap3A_732 = vector.shape_cast %swap3A_731 : vector<16xi32> to vector<16xi32>
      %swap3A_733 = vector.shape_cast %broadcast_in_dim3A_719 : vector<16xi32> to vector<16xi32>
      tpu.vector_store %arg15[%swap3A_730], %swap3A_733 {strides = array<i32>} : memref<208xi32, #tpu.memory_space<vmem>>, vector<16xi32>,
      %swap3A_734 = arith.constant 16 : index
      %swap3A_735 = tpu.vector_load %arg13[%swap3A_734] {strides = array<i32>} : memref<208xi32, #tpu.memory_space<vmem>>, vector<16xi32>,
      %swap3A_736 = vector.shape_cast %swap3A_735 : vector<16xi32> to vector<16xi32>
      %swap3A_737 = vector.shape_cast %broadcast_in_dim3A_719 : vector<16xi32> to vector<16xi32>
      tpu.vector_store %arg13[%swap3A_734], %swap3A_737 {strides = array<i32>} : memref<208xi32, #tpu.memory_space<vmem>>, vector<16xi32>,
      %swap3A_738 = arith.constant 16 : index
      %swap3A_739 = tpu.vector_load %arg14[%swap3A_738] {strides = array<i32>} : memref<208xf32, #tpu.memory_space<vmem>>, vector<16xf32>,
      %swap3A_740 = vector.shape_cast %swap3A_739 : vector<16xf32> to vector<16xf32>
      %swap3A_741 = vector.shape_cast %broadcast_in_dim3A_721 : vector<16xf32> to vector<16xf32>
      tpu.vector_store %arg14[%swap3A_738], %swap3A_741 {strides = array<i32>} : memref<208xf32, #tpu.memory_space<vmem>>, vector<16xf32>,
      %swap3A_742 = arith.constant 16 : index
      %swap3A_743 = tpu.vector_load %arg15[%swap3A_742] {strides = array<i32>} : memref<208xi32, #tpu.memory_space<vmem>>, vector<16xi32>,
      %swap3A_744 = vector.shape_cast %swap3A_743 : vector<16xi32> to vector<16xi32>
      %swap3A_745 = vector.shape_cast %broadcast_in_dim3A_719 : vector<16xi32> to vector<16xi32>
      tpu.vector_store %arg15[%swap3A_742], %swap3A_745 {strides = array<i32>} : memref<208xi32, #tpu.memory_space<vmem>>, vector<16xi32>,
      %swap3A_746 = arith.constant 32 : index
      %swap3A_747 = tpu.vector_load %arg13[%swap3A_746] {strides = array<i32>} : memref<208xi32, #tpu.memory_space<vmem>>, vector<16xi32>,
      %swap3A_748 = vector.shape_cast %swap3A_747 : vector<16xi32> to vector<16xi32>
      %swap3A_749 = vector.shape_cast %broadcast_in_dim3A_719 : vector<16xi32> to vector<16xi32>
      tpu.vector_store %arg13[%swap3A_746], %swap3A_749 {strides = array<i32>} : memref<208xi32, #tpu.memory_space<vmem>>, vector<16xi32>,
      %swap3A_750 = arith.constant 32 : index
      %swap3A_751 = tpu.vector_load %arg14[%swap3A_750] {strides = array<i32>} : memref<208xf32, #tpu.memory_space<vmem>>, vector<16xf32>,
      %swap3A_752 = vector.shape_cast %swap3A_751 : vector<16xf32> to vector<16xf32>
      %swap3A_753 = vector.shape_cast %broadcast_in_dim3A_721 : vector<16xf32> to vector<16xf32>
      tpu.vector_store %arg14[%swap3A_750], %swap3A_753 {strides = array<i32>} : memref<208xf32, #tpu.memory_space<vmem>>, vector<16xf32>,
      %swap3A_754 = arith.constant 32 : index
      %swap3A_755 = tpu.vector_load %arg15[%swap3A_754] {strides = array<i32>} : memref<208xi32, #tpu.memory_space<vmem>>, vector<16xi32>,
      %swap3A_756 = vector.shape_cast %swap3A_755 : vector<16xi32> to vector<16xi32>
      %swap3A_757 = vector.shape_cast %broadcast_in_dim3A_719 : vector<16xi32> to vector<16xi32>
      tpu.vector_store %arg15[%swap3A_754], %swap3A_757 {strides = array<i32>} : memref<208xi32, #tpu.memory_space<vmem>>, vector<16xi32>,
      %swap3A_758 = arith.constant 48 : index
      %swap3A_759 = tpu.vector_load %arg13[%swap3A_758] {strides = array<i32>} : memref<208xi32, #tpu.memory_space<vmem>>, vector<16xi32>,
      %swap3A_760 = vector.shape_cast %swap3A_759 : vector<16xi32> to vector<16xi32>
      %swap3A_761 = vector.shape_cast %broadcast_in_dim3A_719 : vector<16xi32> to vector<16xi32>
      tpu.vector_store %arg13[%swap3A_758], %swap3A_761 {strides = array<i32>} : memref<208xi32, #tpu.memory_space<vmem>>, vector<16xi32>,
      %swap3A_762 = arith.constant 48 : index
      %swap3A_763 = tpu.vector_load %arg14[%swap3A_762] {strides = array<i32>} : memref<208xf32, #tpu.memory_space<vmem>>, vector<16xf32>,
      %swap3A_764 = vector.shape_cast %swap3A_763 : vector<16xf32> to vector<16xf32>
      %swap3A_765 = vector.shape_cast %broadcast_in_dim3A_721 : vector<16xf32> to vector<16xf32>
      tpu.vector_store %arg14[%swap3A_762], %swap3A_765 {strides = array<i32>} : memref<208xf32, #tpu.memory_space<vmem>>, vector<16xf32>,
      %swap3A_766 = arith.constant 48 : index
      %swap3A_767 = tpu.vector_load %arg15[%swap3A_766] {strides = array<i32>} : memref<208xi32, #tpu.memory_space<vmem>>, vector<16xi32>,
      %swap3A_768 = vector.shape_cast %swap3A_767 : vector<16xi32> to vector<16xi32>
      %swap3A_769 = vector.shape_cast %broadcast_in_dim3A_719 : vector<16xi32> to vector<16xi32>
      tpu.vector_store %arg15[%swap3A_766], %swap3A_769 {strides = array<i32>} : memref<208xi32, #tpu.memory_space<vmem>>, vector<16xi32>,
      %swap3A_770 = arith.constant 64 : index
      %swap3A_771 = tpu.vector_load %arg13[%swap3A_770] {strides = array<i32>} : memref<208xi32, #tpu.memory_space<vmem>>, vector<16xi32>,
      %swap3A_772 = vector.shape_cast %swap3A_771 : vector<16xi32> to vector<16xi32>
      %swap3A_773 = vector.shape_cast %broadcast_in_dim3A_719 : vector<16xi32> to vector<16xi32>
      tpu.vector_store %arg13[%swap3A_770], %swap3A_773 {strides = array<i32>} : memref<208xi32, #tpu.memory_space<vmem>>, vector<16xi32>,
      %swap3A_774 = arith.constant 64 : index
      %swap3A_775 = tpu.vector_load %arg14[%swap3A_774] {strides = array<i32>} : memref<208xf32, #tpu.memory_space<vmem>>, vector<16xf32>,
      %swap3A_776 = vector.shape_cast %swap3A_775 : vector<16xf32> to vector<16xf32>
      %swap3A_777 = vector.shape_cast %broadcast_in_dim3A_721 : vector<16xf32> to vector<16xf32>
      tpu.vector_store %arg14[%swap3A_774], %swap3A_777 {strides = array<i32>} : memref<208xf32, #tpu.memory_space<vmem>>, vector<16xf32>,
      %swap3A_778 = arith.constant 64 : index
      %swap3A_779 = tpu.vector_load %arg15[%swap3A_778] {strides = array<i32>} : memref<208xi32, #tpu.memory_space<vmem>>, vector<16xi32>,
      %swap3A_780 = vector.shape_cast %swap3A_779 : vector<16xi32> to vector<16xi32>
      %swap3A_781 = vector.shape_cast %broadcast_in_dim3A_719 : vector<16xi32> to vector<16xi32>
      tpu.vector_store %arg15[%swap3A_778], %swap3A_781 {strides = array<i32>} : memref<208xi32, #tpu.memory_space<vmem>>, vector<16xi32>,
      %swap3A_782 = arith.constant 80 : index
      %swap3A_783 = tpu.vector_load %arg13[%swap3A_782] {strides = array<i32>} : memref<208xi32, #tpu.memory_space<vmem>>, vector<16xi32>,
      %swap3A_784 = vector.shape_cast %swap3A_783 : vector<16xi32> to vector<16xi32>
      %swap3A_785 = vector.shape_cast %broadcast_in_dim3A_719 : vector<16xi32> to vector<16xi32>
      tpu.vector_store %arg13[%swap3A_782], %swap3A_785 {strides = array<i32>} : memref<208xi32, #tpu.memory_space<vmem>>, vector<16xi32>,
      %swap3A_786 = arith.constant 80 : index
      %swap3A_787 = tpu.vector_load %arg14[%swap3A_786] {strides = array<i32>} : memref<208xf32, #tpu.memory_space<vmem>>, vector<16xf32>,
      %swap3A_788 = vector.shape_cast %swap3A_787 : vector<16xf32> to vector<16xf32>
      %swap3A_789 = vector.shape_cast %broadcast_in_dim3A_721 : vector<16xf32> to vector<16xf32>
      tpu.vector_store %arg14[%swap3A_786], %swap3A_789 {strides = array<i32>} : memref<208xf32, #tpu.memory_space<vmem>>, vector<16xf32>,
      %swap3A_790 = arith.constant 80 : index
      %swap3A_791 = tpu.vector_load %arg15[%swap3A_790] {strides = array<i32>} : memref<208xi32, #tpu.memory_space<vmem>>, vector<16xi32>,
      %swap3A_792 = vector.shape_cast %swap3A_791 : vector<16xi32> to vector<16xi32>
      %swap3A_793 = vector.shape_cast %broadcast_in_dim3A_719 : vector<16xi32> to vector<16xi32>
      tpu.vector_store %arg15[%swap3A_790], %swap3A_793 {strides = array<i32>} : memref<208xi32, #tpu.memory_space<vmem>>, vector<16xi32>,
      %swap3A_794 = arith.constant 96 : index
      %swap3A_795 = tpu.vector_load %arg13[%swap3A_794] {strides = array<i32>} : memref<208xi32, #tpu.memory_space<vmem>>, vector<16xi32>,
      %swap3A_796 = vector.shape_cast %swap3A_795 : vector<16xi32> to vector<16xi32>
      %swap3A_797 = vector.shape_cast %broadcast_in_dim3A_719 : vector<16xi32> to vector<16xi32>
      tpu.vector_store %arg13[%swap3A_794], %swap3A_797 {strides = array<i32>} : memref<208xi32, #tpu.memory_space<vmem>>, vector<16xi32>,
      %swap3A_798 = arith.constant 96 : index
      %swap3A_799 = tpu.vector_load %arg14[%swap3A_798] {strides = array<i32>} : memref<208xf32, #tpu.memory_space<vmem>>, vector<16xf32>,
      %swap3A_800 = vector.shape_cast %swap3A_799 : vector<16xf32> to vector<16xf32>
      %swap3A_801 = vector.shape_cast %broadcast_in_dim3A_721 : vector<16xf32> to vector<16xf32>
      tpu.vector_store %arg14[%swap3A_798], %swap3A_801 {strides = array<i32>} : memref<208xf32, #tpu.memory_space<vmem>>, vector<16xf32>,
      %swap3A_802 = arith.constant 96 : index
      %swap3A_803 = tpu.vector_load %arg15[%swap3A_802] {strides = array<i32>} : memref<208xi32, #tpu.memory_space<vmem>>, vector<16xi32>,
      %swap3A_804 = vector.shape_cast %swap3A_803 : vector<16xi32> to vector<16xi32>
      %swap3A_805 = vector.shape_cast %broadcast_in_dim3A_719 : vector<16xi32> to vector<16xi32>
      tpu.vector_store %arg15[%swap3A_802], %swap3A_805 {strides = array<i32>} : memref<208xi32, #tpu.memory_space<vmem>>, vector<16xi32>,
      %swap3A_806 = arith.constant 112 : index
      %swap3A_807 = tpu.vector_load %arg13[%swap3A_806] {strides = array<i32>} : memref<208xi32, #tpu.memory_space<vmem>>, vector<16xi32>,
      %swap3A_808 = vector.shape_cast %swap3A_807 : vector<16xi32> to vector<16xi32>
      %swap3A_809 = vector.shape_cast %broadcast_in_dim3A_719 : vector<16xi32> to vector<16xi32>
      tpu.vector_store %arg13[%swap3A_806], %swap3A_809 {strides = array<i32>} : memref<208xi32, #tpu.memory_space<vmem>>, vector<16xi32>,
      %swap3A_810 = arith.constant 112 : index
      %swap3A_811 = tpu.vector_load %arg14[%swap3A_810] {strides = array<i32>} : memref<208xf32, #tpu.memory_space<vmem>>, vector<16xf32>,
      %swap3A_812 = vector.shape_cast %swap3A_811 : vector<16xf32> to vector<16xf32>
      %swap3A_813 = vector.shape_cast %broadcast_in_dim3A_721 : vector<16xf32> to vector<16xf32>
      tpu.vector_store %arg14[%swap3A_810], %swap3A_813 {strides = array<i32>} : memref<208xf32, #tpu.memory_space<vmem>>, vector<16xf32>,
      %swap3A_814 = arith.constant 112 : index
      %swap3A_815 = tpu.vector_load %arg15[%swap3A_814] {strides = array<i32>} : memref<208xi32, #tpu.memory_space<vmem>>, vector<16xi32>,
      %swap3A_816 = vector.shape_cast %swap3A_815 : vector<16xi32> to vector<16xi32>
      %swap3A_817 = vector.shape_cast %broadcast_in_dim3A_719 : vector<16xi32> to vector<16xi32>
      tpu.vector_store %arg15[%swap3A_814], %swap3A_817 {strides = array<i32>} : memref<208xi32, #tpu.memory_space<vmem>>, vector<16xi32>,
      %swap3A_818 = arith.constant 128 : index
      %swap3A_819 = tpu.vector_load %arg13[%swap3A_818] {strides = array<i32>} : memref<208xi32, #tpu.memory_space<vmem>>, vector<16xi32>,
      %swap3A_820 = vector.shape_cast %swap3A_819 : vector<16xi32> to vector<16xi32>
      %swap3A_821 = vector.shape_cast %broadcast_in_dim3A_719 : vector<16xi32> to vector<16xi32>
      tpu.vector_store %arg13[%swap3A_818], %swap3A_821 {strides = array<i32>} : memref<208xi32, #tpu.memory_space<vmem>>, vector<16xi32>,
      %swap3A_822 = arith.constant 128 : index
      %swap3A_823 = tpu.vector_load %arg14[%swap3A_822] {strides = array<i32>} : memref<208xf32, #tpu.memory_space<vmem>>, vector<16xf32>,
      %swap3A_824 = vector.shape_cast %swap3A_823 : vector<16xf32> to vector<16xf32>
      %swap3A_825 = vector.shape_cast %broadcast_in_dim3A_721 : vector<16xf32> to vector<16xf32>
      tpu.vector_store %arg14[%swap3A_822], %swap3A_825 {strides = array<i32>} : memref<208xf32, #tpu.memory_space<vmem>>, vector<16xf32>,
      %swap3A_826 = arith.constant 128 : index
      %swap3A_827 = tpu.vector_load %arg15[%swap3A_826] {strides = array<i32>} : memref<208xi32, #tpu.memory_space<vmem>>, vector<16xi32>,
      %swap3A_828 = vector.shape_cast %swap3A_827 : vector<16xi32> to vector<16xi32>
      %swap3A_829 = vector.shape_cast %broadcast_in_dim3A_719 : vector<16xi32> to vector<16xi32>
      tpu.vector_store %arg15[%swap3A_826], %swap3A_829 {strides = array<i32>} : memref<208xi32, #tpu.memory_space<vmem>>, vector<16xi32>,
      %swap3A_830 = arith.constant 144 : index
      %swap3A_831 = tpu.vector_load %arg13[%swap3A_830] {strides = array<i32>} : memref<208xi32, #tpu.memory_space<vmem>>, vector<16xi32>,
      %swap3A_832 = vector.shape_cast %swap3A_831 : vector<16xi32> to vector<16xi32>
      %swap3A_833 = vector.shape_cast %broadcast_in_dim3A_719 : vector<16xi32> to vector<16xi32>
      tpu.vector_store %arg13[%swap3A_830], %swap3A_833 {strides = array<i32>} : memref<208xi32, #tpu.memory_space<vmem>>, vector<16xi32>,
      %swap3A_834 = arith.constant 144 : index
      %swap3A_835 = tpu.vector_load %arg14[%swap3A_834] {strides = array<i32>} : memref<208xf32, #tpu.memory_space<vmem>>, vector<16xf32>,
      %swap3A_836 = vector.shape_cast %swap3A_835 : vector<16xf32> to vector<16xf32>
      %swap3A_837 = vector.shape_cast %broadcast_in_dim3A_721 : vector<16xf32> to vector<16xf32>
      tpu.vector_store %arg14[%swap3A_834], %swap3A_837 {strides = array<i32>} : memref<208xf32, #tpu.memory_space<vmem>>, vector<16xf32>,
      %swap3A_838 = arith.constant 144 : index
      %swap3A_839 = tpu.vector_load %arg15[%swap3A_838] {strides = array<i32>} : memref<208xi32, #tpu.memory_space<vmem>>, vector<16xi32>,
      %swap3A_840 = vector.shape_cast %swap3A_839 : vector<16xi32> to vector<16xi32>
      %swap3A_841 = vector.shape_cast %broadcast_in_dim3A_719 : vector<16xi32> to vector<16xi32>
      tpu.vector_store %arg15[%swap3A_838], %swap3A_841 {strides = array<i32>} : memref<208xi32, #tpu.memory_space<vmem>>, vector<16xi32>,
      %swap3A_842 = arith.constant 160 : index
      %swap3A_843 = tpu.vector_load %arg13[%swap3A_842] {strides = array<i32>} : memref<208xi32, #tpu.memory_space<vmem>>, vector<16xi32>,
      %swap3A_844 = vector.shape_cast %swap3A_843 : vector<16xi32> to vector<16xi32>
      %swap3A_845 = vector.shape_cast %broadcast_in_dim3A_719 : vector<16xi32> to vector<16xi32>
      tpu.vector_store %arg13[%swap3A_842], %swap3A_845 {strides = array<i32>} : memref<208xi32, #tpu.memory_space<vmem>>, vector<16xi32>,
      %swap3A_846 = arith.constant 160 : index
      %swap3A_847 = tpu.vector_load %arg14[%swap3A_846] {strides = array<i32>} : memref<208xf32, #tpu.memory_space<vmem>>, vector<16xf32>,
      %swap3A_848 = vector.shape_cast %swap3A_847 : vector<16xf32> to vector<16xf32>
      %swap3A_849 = vector.shape_cast %broadcast_in_dim3A_721 : vector<16xf32> to vector<16xf32>
      tpu.vector_store %arg14[%swap3A_846], %swap3A_849 {strides = array<i32>} : memref<208xf32, #tpu.memory_space<vmem>>, vector<16xf32>,
      %swap3A_850 = arith.constant 160 : index
      %swap3A_851 = tpu.vector_load %arg15[%swap3A_850] {strides = array<i32>} : memref<208xi32, #tpu.memory_space<vmem>>, vector<16xi32>,
      %swap3A_852 = vector.shape_cast %swap3A_851 : vector<16xi32> to vector<16xi32>
      %swap3A_853 = vector.shape_cast %broadcast_in_dim3A_719 : vector<16xi32> to vector<16xi32>
      tpu.vector_store %arg15[%swap3A_850], %swap3A_853 {strides = array<i32>} : memref<208xi32, #tpu.memory_space<vmem>>, vector<16xi32>,
      %swap3A_854 = arith.constant 176 : index
      %swap3A_855 = tpu.vector_load %arg13[%swap3A_854] {strides = array<i32>} : memref<208xi32, #tpu.memory_space<vmem>>, vector<16xi32>,
      %swap3A_856 = vector.shape_cast %swap3A_855 : vector<16xi32> to vector<16xi32>
      %swap3A_857 = vector.shape_cast %broadcast_in_dim3A_719 : vector<16xi32> to vector<16xi32>
      tpu.vector_store %arg13[%swap3A_854], %swap3A_857 {strides = array<i32>} : memref<208xi32, #tpu.memory_space<vmem>>, vector<16xi32>,
      %swap3A_858 = arith.constant 176 : index
      %swap3A_859 = tpu.vector_load %arg14[%swap3A_858] {strides = array<i32>} : memref<208xf32, #tpu.memory_space<vmem>>, vector<16xf32>,
      %swap3A_860 = vector.shape_cast %swap3A_859 : vector<16xf32> to vector<16xf32>
      %swap3A_861 = vector.shape_cast %broadcast_in_dim3A_721 : vector<16xf32> to vector<16xf32>
      tpu.vector_store %arg14[%swap3A_858], %swap3A_861 {strides = array<i32>} : memref<208xf32, #tpu.memory_space<vmem>>, vector<16xf32>,
      %swap3A_862 = arith.constant 176 : index
      %swap3A_863 = tpu.vector_load %arg15[%swap3A_862] {strides = array<i32>} : memref<208xi32, #tpu.memory_space<vmem>>, vector<16xi32>,
      %swap3A_864 = vector.shape_cast %swap3A_863 : vector<16xi32> to vector<16xi32>
      %swap3A_865 = vector.shape_cast %broadcast_in_dim3A_719 : vector<16xi32> to vector<16xi32>
      tpu.vector_store %arg15[%swap3A_862], %swap3A_865 {strides = array<i32>} : memref<208xi32, #tpu.memory_space<vmem>>, vector<16xi32>,
      %swap3A_866 = arith.constant 192 : index
      %swap3A_867 = tpu.vector_load %arg13[%swap3A_866] {strides = array<i32>} : memref<208xi32, #tpu.memory_space<vmem>>, vector<16xi32>,
      %swap3A_868 = vector.shape_cast %swap3A_867 : vector<16xi32> to vector<16xi32>
      %swap3A_869 = vector.shape_cast %broadcast_in_dim3A_719 : vector<16xi32> to vector<16xi32>
      tpu.vector_store %arg13[%swap3A_866], %swap3A_869 {strides = array<i32>} : memref<208xi32, #tpu.memory_space<vmem>>, vector<16xi32>,
      %swap3A_870 = arith.constant 192 : index
      %swap3A_871 = tpu.vector_load %arg14[%swap3A_870] {strides = array<i32>} : memref<208xf32, #tpu.memory_space<vmem>>, vector<16xf32>,
      %swap3A_872 = vector.shape_cast %swap3A_871 : vector<16xf32> to vector<16xf32>
      %swap3A_873 = vector.shape_cast %broadcast_in_dim3A_721 : vector<16xf32> to vector<16xf32>
      tpu.vector_store %arg14[%swap3A_870], %swap3A_873 {strides = array<i32>} : memref<208xf32, #tpu.memory_space<vmem>>, vector<16xf32>,
      %swap3A_874 = arith.constant 192 : index
      %swap3A_875 = tpu.vector_load %arg15[%swap3A_874] {strides = array<i32>} : memref<208xi32, #tpu.memory_space<vmem>>, vector<16xi32>,
      %swap3A_876 = vector.shape_cast %swap3A_875 : vector<16xi32> to vector<16xi32>
      %swap3A_877 = vector.shape_cast %broadcast_in_dim3A_719 : vector<16xi32> to vector<16xi32>
      tpu.vector_store %arg15[%swap3A_874], %swap3A_877 {strides = array<i32>} : memref<208xi32, #tpu.memory_space<vmem>>, vector<16xi32>,
      %dma_wait3A_878 = arith.constant 0 : i32
      %dma_wait3A_879 = arith.constant 0 : i32
      %dma_wait3A_880 = tpu.memref_slice %arg16[%dma_wait3A_878, %dma_wait3A_879] : memref<208x128xf32, #tpu.memory_space<vmem>> -> memref<104x128xf32, #tpu.memory_space<vmem>>
      %dma_wait3A_881 = arith.constant 0 : i32
      %dma_wait3A_882 = tpu.memref_slice %arg11[%dma_wait3A_881] : memref<208xi32, #tpu.memory_space<vmem>> -> memref<104xi32, #tpu.memory_space<vmem>>
      %dma_wait3A_883 = arith.constant 0 : i32
      %dma_wait3A_884 = arith.constant 0 : i32
      %dma_wait3A_885 = tpu.memref_slice %arg4[%dma_wait3A_883, %dma_wait3A_884] : memref<100000x128xf32, #tpu.memory_space<hbm>> -> memref<100000x128xf32, #tpu.memory_space<hbm>>
      tpu.wait_indirect_dma semaphore(%arg19 : memref<!tpu.dma_semaphore, #tpu.memory_space<semaphore_mem>>) src(%dma_wait3A_885 : memref<100000x128xf32, #tpu.memory_space<hbm>>) dst(%dma_wait3A_880 : memref<104x128xf32, #tpu.memory_space<vmem>>)
      %dma_wait3A_886 = arith.constant 104 : i32
      %dma_wait3A_887 = arith.constant 0 : i32
      %dma_wait3A_888 = tpu.memref_slice %arg16[%dma_wait3A_886, %dma_wait3A_887] : memref<208x128xf32, #tpu.memory_space<vmem>> -> memref<104x128xf32, #tpu.memory_space<vmem>>
      %dma_wait3A_889 = arith.constant 104 : i32
      %dma_wait3A_890 = tpu.memref_slice %arg11[%dma_wait3A_889] : memref<208xi32, #tpu.memory_space<vmem>> -> memref<104xi32, #tpu.memory_space<vmem>>
      %dma_wait3A_891 = arith.constant 0 : i32
      %dma_wait3A_892 = arith.constant 0 : i32
      %dma_wait3A_893 = tpu.memref_slice %arg4[%dma_wait3A_891, %dma_wait3A_892] : memref<100000x128xf32, #tpu.memory_space<hbm>> -> memref<100000x128xf32, #tpu.memory_space<hbm>>
      tpu.wait_indirect_dma semaphore(%arg19 : memref<!tpu.dma_semaphore, #tpu.memory_space<semaphore_mem>>) src(%dma_wait3A_893 : memref<100000x128xf32, #tpu.memory_space<hbm>>) dst(%dma_wait3A_888 : memref<104x128xf32, #tpu.memory_space<vmem>>)
      %dma_wait3A_894 = arith.constant 0 : i32
      %dma_wait3A_895 = arith.constant 0 : i32
      %dma_wait3A_896 = tpu.memref_slice %arg17[%dma_wait3A_894, %dma_wait3A_895] : memref<208x128xf32, #tpu.memory_space<vmem>> -> memref<104x128xf32, #tpu.memory_space<vmem>>
      %dma_wait3A_897 = arith.constant 0 : i32
      %dma_wait3A_898 = tpu.memref_slice %arg12[%dma_wait3A_897] : memref<208xi32, #tpu.memory_space<vmem>> -> memref<104xi32, #tpu.memory_space<vmem>>
      %dma_wait3A_899 = arith.constant 0 : i32
      %dma_wait3A_900 = arith.constant 0 : i32
      %dma_wait3A_901 = tpu.memref_slice %arg3[%dma_wait3A_899, %dma_wait3A_900] : memref<1564x128xf32, #tpu.memory_space<hbm>> -> memref<1564x128xf32, #tpu.memory_space<hbm>>
      tpu.wait_indirect_dma semaphore(%arg19 : memref<!tpu.dma_semaphore, #tpu.memory_space<semaphore_mem>>) src(%dma_wait3A_901 : memref<1564x128xf32, #tpu.memory_space<hbm>>) dst(%dma_wait3A_896 : memref<104x128xf32, #tpu.memory_space<vmem>>)
      %dma_wait3A_902 = arith.constant 104 : i32
      %dma_wait3A_903 = arith.constant 0 : i32
      %dma_wait3A_904 = tpu.memref_slice %arg17[%dma_wait3A_902, %dma_wait3A_903] : memref<208x128xf32, #tpu.memory_space<vmem>> -> memref<104x128xf32, #tpu.memory_space<vmem>>
      %dma_wait3A_905 = arith.constant 104 : i32
      %dma_wait3A_906 = tpu.memref_slice %arg12[%dma_wait3A_905] : memref<208xi32, #tpu.memory_space<vmem>> -> memref<104xi32, #tpu.memory_space<vmem>>
      %dma_wait3A_907 = arith.constant 0 : i32
      %dma_wait3A_908 = arith.constant 0 : i32
      %dma_wait3A_909 = tpu.memref_slice %arg3[%dma_wait3A_907, %dma_wait3A_908] : memref<1564x128xf32, #tpu.memory_space<hbm>> -> memref<1564x128xf32, #tpu.memory_space<hbm>>
      tpu.wait_indirect_dma semaphore(%arg19 : memref<!tpu.dma_semaphore, #tpu.memory_space<semaphore_mem>>) src(%dma_wait3A_909 : memref<1564x128xf32, #tpu.memory_space<hbm>>) dst(%dma_wait3A_904 : memref<104x128xf32, #tpu.memory_space<vmem>>)
      %dma_wait3A_910 = arith.constant 0 : i32
      %dma_wait3A_911 = arith.constant 0 : i32
      %dma_wait3A_912 = tpu.memref_slice %arg18[%dma_wait3A_910, %dma_wait3A_911] : memref<208x128xf32, #tpu.memory_space<vmem>> -> memref<200x128xf32, #tpu.memory_space<vmem>>
      %dma_wait3A_913 = arith.constant 0 : i32
      %dma_wait3A_914 = arith.constant 0 : i32
      %dma_wait3A_915 = tpu.memref_slice %arg7[%dma_wait3A_913, %dma_wait3A_914] : memref<204800x128xf32, #tpu.memory_space<hbm>> -> memref<200x128xf32, #tpu.memory_space<hbm>>
      %dma_wait3A_916 = arith.constant 0 : i32
      %dma_wait3A_917 = arith.constant 0 : i32
      %dma_wait3A_918 = tpu.memref_slice %arg7[%dma_wait3A_916, %dma_wait3A_917] : memref<204800x128xf32, #tpu.memory_space<hbm>> -> memref<200x128xf32, #tpu.memory_space<hbm>>
      %dma_wait3A_919 = arith.constant 0 : i32
      %dma_wait3A_920 = arith.constant 0 : i32
      %dma_wait3A_921 = tpu.memref_slice %arg18[%dma_wait3A_919, %dma_wait3A_920] : memref<208x128xf32, #tpu.memory_space<vmem>> -> memref<200x128xf32, #tpu.memory_space<vmem>>
      tpu.wait_dma2 semaphore(%arg21 : memref<!tpu.dma_semaphore, #tpu.memory_space<semaphore_mem>>) src(%dma_wait3A_921 : memref<200x128xf32, #tpu.memory_space<vmem>>) dst(%dma_wait3A_918 : memref<200x128xf32, #tpu.memory_space<hbm>>)
      %mul3A_922 = arith.constant 200 : i32
      %mul3A_923 = arith.muli %add3A_542, %mul3A_922 : i32
      %dma_start3A_924 = arith.constant 0 : i32
      %dma_start3A_925 = arith.constant 0 : i32
      %dma_start3A_926 = tpu.memref_slice %arg18[%dma_start3A_924, %dma_start3A_925] : memref<208x128xf32, #tpu.memory_space<vmem>> -> memref<200x128xf32, #tpu.memory_space<vmem>>
      %dma_start3A_927 = arith.constant 0 : i32
      %dma_start3A_928 = tpu.memref_slice %arg7[%mul3A_923, %dma_start3A_927] : memref<204800x128xf32, #tpu.memory_space<hbm>> -> memref<200x128xf32, #tpu.memory_space<hbm>>
      %dma_start3A_929 = arith.constant 0 : i32
      %dma_start3A_930 = tpu.memref_slice %arg7[%mul3A_923, %dma_start3A_929] : memref<204800x128xf32, #tpu.memory_space<hbm>> -> memref<200x128xf32, #tpu.memory_space<hbm>>
      %dma_start3A_931 = arith.constant 0 : i32
      %dma_start3A_932 = arith.constant 0 : i32
      %dma_start3A_933 = tpu.memref_slice %arg18[%dma_start3A_931, %dma_start3A_932] : memref<208x128xf32, #tpu.memory_space<vmem>> -> memref<200x128xf32, #tpu.memory_space<vmem>>
      tpu.enqueue_dma source(%dma_start3A_933 : memref<200x128xf32, #tpu.memory_space<vmem>>) target(%dma_start3A_930 : memref<200x128xf32, #tpu.memory_space<hbm>>) target_semaphore(%arg21 : memref<!tpu.dma_semaphore, #tpu.memory_space<semaphore_mem>>)
      %dma_wait3A_934 = arith.constant 0 : i32
      %dma_wait3A_935 = tpu.memref_slice %arg10[%dma_wait3A_934] : memref<208xi32, #tpu.memory_space<vmem>> -> memref<200xi32, #tpu.memory_space<vmem>>
      %dma_wait3A_936 = arith.constant 0 : i32
      %dma_wait3A_937 = tpu.memref_slice %arg2[%dma_wait3A_936] : memref<204800xi32, #tpu.memory_space<hbm>> -> memref<200xi32, #tpu.memory_space<hbm>>
      %dma_wait3A_938 = arith.constant 0 : i32
      %dma_wait3A_939 = tpu.memref_slice %arg10[%dma_wait3A_938] : memref<208xi32, #tpu.memory_space<vmem>> -> memref<200xi32, #tpu.memory_space<vmem>>
      %dma_wait3A_940 = arith.constant 0 : i32
      %dma_wait3A_941 = tpu.memref_slice %arg2[%dma_wait3A_940] : memref<204800xi32, #tpu.memory_space<hbm>> -> memref<200xi32, #tpu.memory_space<hbm>>
      tpu.wait_dma2 semaphore(%arg20 : memref<!tpu.dma_semaphore, #tpu.memory_space<semaphore_mem>>) src(%dma_wait3A_941 : memref<200xi32, #tpu.memory_space<hbm>>) dst(%dma_wait3A_939 : memref<200xi32, #tpu.memory_space<vmem>>)
    }
    %scan3A_136 = arith.constant 16 : i32
    %dma_wait3A = arith.constant 0 : i32
    %dma_wait3A_137 = arith.constant 0 : i32
    %dma_wait3A_138 = tpu.memref_slice %arg18[%dma_wait3A, %dma_wait3A_137] : memref<208x128xf32, #tpu.memory_space<vmem>> -> memref<200x128xf32, #tpu.memory_space<vmem>>
    %dma_wait3A_139 = arith.constant 0 : i32
    %dma_wait3A_140 = arith.constant 0 : i32
    %dma_wait3A_141 = tpu.memref_slice %arg7[%dma_wait3A_139, %dma_wait3A_140] : memref<204800x128xf32, #tpu.memory_space<hbm>> -> memref<200x128xf32, #tpu.memory_space<hbm>>
    %dma_wait3A_142 = arith.constant 0 : i32
    %dma_wait3A_143 = arith.constant 0 : i32
    %dma_wait3A_144 = tpu.memref_slice %arg7[%dma_wait3A_142, %dma_wait3A_143] : memref<204800x128xf32, #tpu.memory_space<hbm>> -> memref<200x128xf32, #tpu.memory_space<hbm>>
    %dma_wait3A_145 = arith.constant 0 : i32
    %dma_wait3A_146 = arith.constant 0 : i32
    %dma_wait3A_147 = tpu.memref_slice %arg18[%dma_wait3A_145, %dma_wait3A_146] : memref<208x128xf32, #tpu.memory_space<vmem>> -> memref<200x128xf32, #tpu.memory_space<vmem>>
    tpu.wait_dma2 semaphore(%arg21 : memref<!tpu.dma_semaphore, #tpu.memory_space<semaphore_mem>>) src(%dma_wait3A_147 : memref<200x128xf32, #tpu.memory_space<vmem>>) dst(%dma_wait3A_144 : memref<200x128xf32, #tpu.memory_space<hbm>>)
    return
  }
}

</mosaic_0001>

<sc_bundles>
// kernel: kernel.3.cloned.1.call-start
scs
__scs_entry_jumppad:
0x0: {  	(pc) =	sbr.rel $0x88, $3  }
0x1: {  	(tag) =	ssettag $0x0;
	lr =	simm.s32 $0x1  }
0x2: {  	[smem:$0x3F99] =	sst lr;
	_ =	strace $0xD0000000  }
0x3: {  	_ = 	snop  }
0x4: {  	_ = 	snop  }
0x5: {  	_ = 	snop  }
0x6: {  	_ = 	snop  }
0x7: {  	_ = 	snop  }
__scs_overlays_trampoline_lowered:
0x8: {  	[smem:$0x3FA8] =	sst s0  }
0x9: {  	[smem:$0x3FA9] =	sst s1  }
0xa: {  	[smem:$0x3FAA] =	sst s2  }
0xb: {  	[smem:$0x3FAB] =	sst s3  }
0xc: {  	[smem:$0x3FAC] =	sst s4  }
0xd: {  	[smem:$0x3FAD] =	sst s5  }
0xe: {  	[smem:$0x3FAE] =	sst s6  }
0xf: {  	[smem:$0x3FAF] =	sst s7  }
0x10: {  	[smem:$0x3FB0] =	sst s8  }
0x11: {  	[smem:$0x3FB1] =	sst s9;
	s0 =	simm.s32 @!p0 $0x0  }
0x12: {  	s1 =	sld [smem:$0x3F97];
	s0 =	simm.s32 @p0 $0x1  }
0x13: {  	[smem:$0x3FB2] =	sst s0;
	s0 =	simm.s32 @!p1 $0x0  }
0x14: {  	s2 =	sld [smem:$0x3F96];
	s0 =	simm.s32 @p1 $0x1  }
0x15: {  	[smem:$0x3FB3] =	sst s0;
	s0 =	simm.s32 @!p2 $0x0  }
0x16: {  	s3 =	sld [smem:$0x3FDB];
	s0 =	simm.s32 @p2 $0x1  }
0x17: {  	s4 =	simm.s32 $0x1BF5;
	[smem:$0x3FB5] =	sst s0  }
0x18: {  	s0 =	sld [smem:$0x3F98];
	_ =	swait.ge [sflag:s4], $0x0  }
0x19: {  	s7 =	sld [smem:$0x3F99]  }
0x1a: {  	s8 =	sadd.s32 $0xFFFFE003, lr  }
0x1b: {  	s9 =	sadd.s32 $0xFFFFFEF7, lr;
	s5 =	simm.s32 $0xFFFFFFFF;
	p2 =	slt.u32 s8, $0xFFFFF086  }
0x1c: {  	p1 =	slt.u32 s9, $0xF7A;
	s5 =	simm.s32 @!p2 $0x0  }
0x1d: {  	s5 =	simm.s32 @p1 $0x1;
	p0 =	seq.s32 s7, s2  }
0x1e: {  	s7 =	smul.u32 @!p0 $0xF7A, s2;
	p2 =	seq.s32 @!p0 s5, $0x0  }
0x1f: {  	s9 =	smul.u32 $0xF7A, s1;
	s8 =	simm.s32 @!p0 $0x1BF5;
	p2 =	por !p2, p0  }
0x20: {  	[sflag:s8] =	ssyncset.s32 @!p0 $0xFFFFF086;
	s6 =	sadd.s32 @!p0 s3, s7;
	s7 =	simm.s32 @!p0 $0x108  }
0x21: {  	s3 =	sadd.s32 s3, s9;
	s6 =	sadd.s32 @!p0 $0x88, s6;
	s7 =	simm.s32 @p2 $0x1082  }
0x22: {  	[simem:s7], [sflag:s8] =	dma.local @!p0 [hbm:s6], $0xF7A  }
0x23: {  	s9 =	sor.u32 $0xD0000000, s2;
	s6 =	simm.s32 $0x108;
	_ =	swait.ge @!p0 [sflag:s8], $0x0  }
0x24: {  	s3 =	sadd.s32 $0x88, s3;
	s6 =	simm.s32 @!p1 $0x1082;
	[sflag:s4] =	ssyncset.s32 $0xFFFFF086  }
0x25: {  	[simem:s6], [sflag:s4] =	dma.local [hbm:s3], $0xF7A  }
0x26: {  	[smem:$0x3F99] =	sst s1;
	(tag) =	ssettag s2;
	_ =	strace s9  }
0x27: {  	s1 =	sld [smem:$0x3FA9]  }
0x28: {  	s2 =	sld [smem:$0x3FAA]  }
0x29: {  	s4 =	sld [smem:$0x3FAC]  }
0x2a: {  	p0 =	seq.s32 s5, $0x0;
	s5 =	sld [smem:$0x3FAD]  }
0x2b: {  	s6 =	sld [smem:$0x3FAE]  }
0x2c: {  	s7 =	sld [smem:$0x3FAF]  }
0x2d: {  	s3 =	simm.s32 $0x108;
	s8 =	sld [smem:$0x3FB0]  }
0x2e: {  	s3 =	simm.s32 @!p0 $0x1082;
	s9 =	sld [smem:$0x3FB1]  }
0x2f: {  	lr =	sadd.s32 s0, s3;
	s0 =	sld [smem:$0x3FA8]  }
0x30: {  	s3 =	sld [smem:$0x3FAB]  }
0x31: {  	[smem:$0x3FB4] =	sst s10  }
0x32: {  	s10 =	sld [smem:$0x3FB2];
	_ =	sdelay $0x3  }
0x33: {  	p0 =	seq.s32 s10, $0x1;
	s10 =	sld [smem:$0x3FB4];
	_ =	sdelay $0x3  }
0x34: {  	[smem:$0x3FB4] =	sst s10  }
0x35: {  	s10 =	sld [smem:$0x3FB3];
	_ =	sdelay $0x3  }
0x36: {  	p1 =	seq.s32 s10, $0x1;
	s10 =	sld [smem:$0x3FB4];
	_ =	sdelay $0x3  }
0x37: {  	[smem:$0x3FB4] =	sst s10  }
0x38: {  	s10 =	sld [smem:$0x3FB5]  }
0x39: {  	_ = 	snop;
	(pc) =	sbr.ind lr, $3  }
0x3a: {  	_ = 	snop  }
0x3b: {  	_ = 	snop  }
0x3c: {  	p2 =	seq.s32 s10, $0x1;
	s10 =	sld [smem:$0x3FB4]  }
0x3d: {  	_ =	shalt  }
0x3e: {  	_ =	shalt  }
0x3f: {  	_ =	shalt  }
0x40: {  	_ =	shalt  }
0x41: {  	_ =	shalt  }
0x42: {  	_ =	shalt  }
0x43: {  	_ =	shalt  }
0x44: {  	_ =	shalt  }
0x45: {  	_ =	shalt  }
0x46: {  	_ =	shalt  }
0x47: {  	_ =	shalt  }
0x48: {  	_ =	shalt  }
0x49: {  	_ =	shalt  }
0x4a: {  	_ =	shalt  }
0x4b: {  	_ =	shalt  }
0x4c: {  	_ =	shalt  }
0x4d: {  	_ =	shalt  }
0x4e: {  	_ =	shalt  }
0x4f: {  	_ =	shalt  }
0x50: {  	_ =	shalt  }
0x51: {  	_ =	shalt  }
0x52: {  	_ =	shalt  }
0x53: {  	_ =	shalt  }
0x54: {  	_ =	shalt  }
0x55: {  	_ =	shalt  }
0x56: {  	_ =	shalt  }
0x57: {  	_ =	shalt  }
0x58: {  	_ =	shalt  }
0x59: {  	_ =	shalt  }
0x5a: {  	_ =	shalt  }
0x5b: {  	_ =	shalt  }
0x5c: {  	_ =	shalt  }
0x5d: {  	_ =	shalt  }
0x5e: {  	_ =	shalt  }
0x5f: {  	_ =	shalt  }
0x60: {  	_ =	shalt  }
0x61: {  	_ =	shalt  }
0x62: {  	_ =	shalt  }
0x63: {  	_ =	shalt  }
0x64: {  	_ =	shalt  }
0x65: {  	_ =	shalt  }
0x66: {  	_ =	shalt  }
0x67: {  	_ =	shalt  }
0x68: {  	_ =	shalt  }
0x69: {  	_ =	shalt  }
0x6a: {  	_ =	shalt  }
0x6b: {  	_ =	shalt  }
0x6c: {  	_ =	shalt  }
0x6d: {  	_ =	shalt  }
0x6e: {  	_ =	shalt  }
0x6f: {  	_ =	shalt  }
0x70: {  	_ =	shalt  }
0x71: {  	_ =	shalt  }
0x72: {  	_ =	shalt  }
0x73: {  	_ =	shalt  }
0x74: {  	_ =	shalt  }
0x75: {  	_ =	shalt  }
0x76: {  	_ =	shalt  }
0x77: {  	_ =	shalt  }
0x78: {  	_ =	shalt  }
0x79: {  	_ =	shalt  }
0x7a: {  	_ =	shalt  }
0x7b: {  	_ =	shalt  }
0x7c: {  	_ =	shalt  }
0x7d: {  	_ =	shalt  }
0x7e: {  	_ =	shalt  }
0x7f: {  	_ =	shalt  }
0x80: {  	_ =	shalt  }
0x81: {  	_ =	shalt  }
0x82: {  	_ =	shalt  }
0x83: {  	_ =	shalt  }
0x84: {  	_ =	shalt  }
0x85: {  	_ =	shalt  }
0x86: {  	_ =	shalt  }
0x87: {  	_ =	shalt  }
.Lfunc_end0:
.L_simem_size_0:
called_computation_lowered:
.L_overlay_start_0:
0x88: {  	s2 =	sld [smem:$0x3FD9]  }
0x89: {  	s3 =	sld [smem:$0x3FFE];
	_ =	sdelay $0x1  }
0x8a: {  	s1 =	srdreg.scid  }
0x8b: {  	s0 =	sand.u32 $0x1, s1  }
0x8c: {  	s17 =	sshll.u32 s0, $0xA;
	s2 =	sadd.s32 s3, s2  }
0x8d: {  	s2 =	sadd.s32 s2, s17  }
0x8e: {  	[smem:$0x3FC0] =	sst s2  }
0x8f: {  	_ = 	snop  }
0x90: {  	s2 =	sld [smem:$0x3FC7]  }
0x91: {  	s18 =	sld [smem:$0x3FC6]  }
0x92: {  	s4 =	sld [smem:$0x3FD0];
	(tm) =	ssettm $0x1  }
0x93: {  	s5 =	sld [smem:$0x3FFB];
	_ =	sdelay $0x3  }
0x94: {  	_ =	strace s5  }
0x95: {  	s5 =	sld [smem:$0x3FFC];
	_ =	sdelay $0x3  }
0x96: {  	_ =	strace s5  }
0x97: {  	s5 =	sld [smem:$0x3FFD];
	_ =	sdelay $0x3  }
0x98: {  	_ =	strace s5  }
0x99: {  	_ =	strace $0x8FFFFFFF  }
0x9a: {  	s19 =	sld [smem:$0x3FDB];
	_ =	sdelay $0x1  }
0x9b: {  	s6 =	simm.s32 $_scs_section_size  }
0x9c: {  	s7 =	simm.s32 $_size__tile_overlayer_lowered;
	s8 =	simm.s32 $_tile_overlayer_lowered  }
0x9d: {  	s22 =	simm.s32 $0x1BFF;
	s21 =	sshll.u32 s8, $0x1;
	s5 =	sadd.s32 s6, s19  }
0x9e: {  	s9 =	simm.s32 $0x0;
	s20 =	sshll.u32 s7, $0x1;
	s7 =	sadd.s32 s21, s5  }
0x9f: {  	[timem:s9], [sflag:s22] =	dma.local [hbm:s7], s20  }
0xa0: {  	_ =	swait.ge [sflag:s22], s20  }
0xa1: {  	s6 =	ssub.s32 $0x0, s20;
	[sflag:s22] =	ssyncset.done $0x0  }
0xa2: {  	[sflag:s22] =	ssyncadd.s32 s6;
	_ =	sdelay $0x1  }
0xa3: {  	s23 =	simm.s32 $0x1B8B  }
0xa4: {  	_ =	swait.ge [sflag:s23], $0x1  }
0xa5: {  	[sflag:s23] =	ssyncset.done $0x0  }
0xa6: {  	s25 =	simm.s32 $0x1B8E;
	s24 =	sld [smem:$0x3FFE];
	[sflag:s23] =	ssyncadd.s32 $0xFFFFFFFF  }
0xa7: {  	s26 =	simm.s32 $execute0_lowered;
	[smem:$0x3FD2] =	sst s25  }
0xa8: {  	s7 =	sshll.u32 s26, $0x1;
	_ =	strace $0x80000046;
	[dreg:$0x1] =	wrdreg $0xFFFFFFFF  }
0xa9: {  	s28 =	simm.s32 $_size_execute0_lowered;
	s5 =	sadd.s32 s5, s7;
	[dreg:$0x0] =	wrdreg $0x0  }
0xaa: {  	s7 =	sshll.u32 s28, $0x1;
	[dreg:$0x2] =	wrdreg s5  }
0xab: {  	[dreg:$0x3] =	wrdreg s7  }
0xac: {  	[dreg:$0x4] =	wrdreg $0xC0  }
0xad: {  	_ =	task [dreg:s9], $0x5FFFF  }
0xae: {  	[dreg:$0x1] =	wrdreg $0xFFFFFFFF  }
0xaf: {  	[dreg:$0x0] =	wrdreg $0x60  }
0xb0: {  	[dreg:$0x2] =	wrdreg s24  }
0xb1: {  	[dreg:$0x3] =	wrdreg s2  }
0xb2: {  	[dreg:$0x4] =	wrdreg s18  }
0xb3: {  	[dreg:$0x5] =	wrdreg s4  }
0xb4: {  	[dreg:$0x6] =	wrdreg $0x9  }
0xb5: {  	_ =	task.clear_ibuf [dreg:s9], $0x7FFFF;
	_ =	strace $0x90000046  }
0xb6: {  	s29 =	simm.s32 $0x9;
	_ =	strace $0x80000048  }
0xb7: {  	_ =	swait.ge [sflag:s29], $0x1  }
0xb8: {  	[sflag:s29] =	ssyncadd.s32 $0xFFFFFFFF  }
0xb9: {  	_ =	strace $0x90000048  }
0xba: {  	_ =	sfence  }
0xbb: {  	s30 =	sld [smem:$0x0];
	_ =	sdelay $0x2  }
0xbc: {  	s31 =	sshll.u32 s1, $0xD;
	s1 =	sshrl.u32 s1, $0x2  }
0xbd: {  	s3 =	sand.u32 $0x4000, s31;
	s1 =	sadd.s32 s1, s30  }
0xbe: {  	s0 =	sor.u32 s3, s0;
	s1 =	sshll.u32 s1, $0x11  }
0xbf: {  	s0 =	sor.u32 s1, s0  }
0xc0: {  	s0 =	sadd.s32 $0x8F2B, s0  }
0xc1: {  	[sflag:s0] =	ssyncadd.remote.s32 $0x1  }
0xc2: {  	_ =	sfence.sel $0xFFFF  }
0xc3: {  	[dreg:$0x0] =	wrdreg $0xFFFFFFFF;
	(pc) =	sbr.abs _section_cstart, $3  }
0xc4: {  	[dreg:$0x1] =	wrdreg $0xFFFFFFFF  }
0xc5: {  	_ =	task.clear_ibuf [dreg:s9], $0x2FFFF;
	_ =	strace $0x9FFFFFFF  }
0xc6: {  	(tm) =	ssettm $0x7FFFFFFF  }
0xc7: {  	_ =	shalt  }
tec
execute0_lowered:
.L_overlay_start_1:
0x0: {  	(tag) =	ssettag $0x1  }
0x1: {  	s0 =	rddreg [dreg:$0x0]  }
0x2: {  	s1 =	rddreg [dreg:$0x1]  }
0x3: {  	s7 =	rddreg [dreg:$0x2]  }
0x4: {  	s2 =	rddreg [dreg:$0x3]  }
0x5: {  	s4 =	simm.s32 $0x0;
	s3 =	srdreg.scid;
	s15 =	stileid.u32  }
0x6: {  	s17 =	simm.s32 $0x6800;
	s18 =	simm.s32 $0x6900;
	s19 =	simm.s32 $0x68  }
0x7: {  	s20 =	simm.s32 $0x6E00;
	s21 =	simm.s32 $0x6868;
	s28 =	simm.s32 $0x1  }
0x8: {  	s29 =	simm.s32 $0x13E00;
	s30 =	simm.s32 $0x2;
	s31 =	simm.s32 $0x6968  }
0x9: {  	[smem:$0x7FF] =	sst s4;
	s3 =	sand.u32 $0x1, s3;
	s6 =	sshll.u32 s15, $0x1  }
0xa: {  	s5 =	sadd.s32 $0xC00, s0;
	s12 =	smul.u32 $0x32000, s15;
	s23 =	sadd.s32 $0x1FF0, s7  }
0xb: {  	s24 =	smul.u32 $0x640, s15;
	_ =	strace $0x80000047;
	s8 =	ssub.s32 $0x2, s3  }
0xc: {  	s9 =	sor.u32 s3, s6;
	s6 =	sadd.s32 $0x7000, s0;
	s14 =	smul.u32 $0x19000, s3  }
0xd: {  	s0 =	sadd.s32 $0xD200, s0;
	[dreg:$0x8] =	wrdreg s23;
	s3 =	smul.u32 $0x320, s3  }
0xe: {  	s23 =	simm.s32 $0x6A00;
	s10 =	sshrl.u32 s8, $0x1;
	s11 =	smul.u32 $0x320, s9  }
0xf: {  	[dreg:$0x7] =	wrdreg s0;
	s13 =	sshll.u32 s9, $0x5;
	s9 =	sadd.s32 $0x2000, s7  }
0x10: {  	s2 =	sadd.s32 s12, s2;
	s25 =	sadd.s32 s24, s5;
	s24 =	simm.s32 $0xD600  }
0x11: {  	s0 =	simm.s32 $0x3;
	s22 =	ssub.s32 s8, s10;
	s13 =	sor.u32 $0x2, s13  }
0x12: {  	s2 =	sadd.s32 s14, s2;
	s26 =	sadd.s32 s3, s25;
	s25 =	simm.s32 $0x6A68  }
0x13: {  	s3 =	simm.s32 $0x0;
	s10 =	sadd.s32 s5, s11;
	[dreg:$0x5] =	wrdreg s13  }
0x14: {  	s11 =	smax.u32 s22, $0x1;
	[dreg:$0x6] =	wrdreg s2;
	s14 =	sadd.s32 $0x19, s26  }
0x15: {  	v0 =	vimm.s32 $0x0;
	v1 =	vimm.f32 $0.0e+00;
	s13 =	simm.s32 $0x4;
	s22 =	simm.s32 $0xA200;
	s26 =	simm.s32 $0x10A00  }
.LBB2_1:
0x16: {  	s2 =	rddreg [dreg:$0x2]  }
0x17: {  	[tilespmem:s4], [sflag:$0x4] =	stream.linear.gather [hbm4b:s2+s4], $0x6480, $0x38;
	[tilespmem:$0x1A600] =	vst v63  }
0x18: {  	_ =	swait.ge [sflag:s13], $0x6480  }
0x19: {  	[sflag:s13] =	ssyncset.done $0x0  }
0x1a: {  	s7 =	simm.s32 $0x6480;
	s8 =	rddreg [dreg:$0x8];
	[sflag:s13] =	ssyncadd.s32 $0xFFFF9B80  }
0x1b: {  	[tilespmem:s7], [sflag:$0x4] =	stream.linear.gather [hbm4b:s8+s4], $0x80, $0x38;
	[tilespmem:$0x1A600] =	vst v63  }
0x1c: {  	_ =	swait.ge [sflag:s13], $0x80  }
0x1d: {  	[sflag:s13] =	ssyncset.done $0x0  }
0x1e: {  	s12 =	simm.s32 $0x6500;
	[sflag:s13] =	ssyncadd.s32 $0xFFFFFF80  }
0x1f: {  	[tilespmem:s12], [sflag:$0x4] =	stream.linear.gather [hbm4b:s9+s4], $0x80, $0x38;
	[tilespmem:$0x1A600] =	vst v63  }
0x20: {  	_ =	swait.ge [sflag:s13], $0x80  }
0x21: {  	[sflag:s13] =	ssyncset.done $0x0  }
0x22: {  	s16 =	simm.s32 $0x6580;
	s15 =	rddreg [dreg:$0x7];
	[sflag:s13] =	ssyncadd.s32 $0xFFFFFF80  }
0x23: {  	[tilespmem:s16], [sflag:$0x4] =	stream.linear.gather [hbm4b:s15+s4], $0x280, $0x38;
	[tilespmem:$0x1A600] =	vst v63  }
0x24: {  	_ =	swait.ge [sflag:s13], $0x280  }
0x25: {  	[sflag:s13] =	ssyncset.done $0x0  }
0x26: {  	[sflag:s13] =	ssyncadd.s32 $0xFFFFFD80  }
0x27: {  	[tilespmem:$0x68C0] =	vst v0  }
0x28: {  	[tilespmem:$0x69C0] =	vst v0  }
0x29: {  	[tilespmem:s17], [sflag:$0x4] =	stream.linear.gather [hbm4b:s10+s4], $0xC8, $0x38;
	[tilespmem:$0x1A600] =	vst v63  }
0x2a: {  	_ =	swait.ge [sflag:s13], $0xC8  }
0x2b: {  	s2 =	simm.s32 $0x0;
	[sflag:s13] =	ssyncset.done $0x0  }
0x2c: {  	s12 =	smov.u32 s14;
	s15 =	simm.s32 $0x0;
	[sflag:s13] =	ssyncadd.s32 $0xFFFFFF38  }
.LBB2_2:
0x2d: {  	[tilespmem:s18], [sflag:$0x2] =	stream.linear.gather [hbm4b:s12+s4], $0xC8, $0x38;
	[tilespmem:$0x1A600] =	vst v63  }
0x2e: {  	v2 =	vld [tilespmem:$0x6800]  }
0x2f: {  	v3 =	vld [tilespmem:$0x6810]  }
0x30: {  	v4 =	vld [tilespmem:$0x6820]  }
0x31: {  	v5 =	vld [tilespmem:$0x6830]  }
0x32: {  	v6 =	vld [tilespmem:$0x6840]  }
0x33: {  	v7 =	vld [tilespmem:$0x6850];
	v2 =	vshrl.u32 v2, $0x6  }
0x34: {  	[tilespmem:$0x6A00] =	vst v2;
	v2 =	vshrl.u32 v3, $0x6;
	v3 =	vld [tilespmem:$0x6860]  }
0x35: {  	v50 =	vld [tilespmem:$0x6870];
	[tilespmem:$0x6A10] =	vst v2;
	v2 =	vshrl.u32 v4, $0x6  }
0x36: {  	v51 =	vld [tilespmem:$0x6880];
	[tilespmem:$0x6A20] =	vst v2;
	v2 =	vshrl.u32 v5, $0x6  }
0x37: {  	v52 =	vld [tilespmem:$0x6890];
	[tilespmem:$0x6A30] =	vst v2;
	v2 =	vshrl.u32 v6, $0x6  }
0x38: {  	v53 =	vld [tilespmem:$0x68A0];
	[tilespmem:$0x6A40] =	vst v2;
	v2 =	vshrl.u32 v7, $0x6  }
0x39: {  	[tilespmem:$0x6A50] =	vst v2;
	v2 =	vshrl.u32 v3, $0x6;
	v3 =	vld [tilespmem:$0x68B0]  }
0x3a: {  	v54 =	vld [tilespmem:$0x68C0];
	[tilespmem:$0x6A60] =	vst v2;
	v2 =	vshrl.u32 v50, $0x6  }
0x3b: {  	[tilespmem:$0x6A70] =	vst v2;
	v2 =	vshrl.u32 v51, $0x6  }
0x3c: {  	[tilespmem:$0x6A80] =	vst v2;
	v2 =	vshrl.u32 v52, $0x6  }
0x3d: {  	[tilespmem:$0x6A90] =	vst v2;
	v2 =	vshrl.u32 v53, $0x6  }
0x3e: {  	[tilespmem:$0x6AA0] =	vst v2;
	v2 =	vshrl.u32 v3, $0x6  }
0x3f: {  	[tilespmem:$0x6AB0] =	vst v2;
	v2 =	vshrl.u32 v54, $0x6  }
0x40: {  	[tilespmem:$0x6AC0] =	vst v2  }
0x41: {  	[tilespmem:s20], [sflag:$0x1] =	stream.indirect.gather [hbm4b:s1+s19], $0x80, s17, s19, $0xb8;
	[tilespmem:$0x1A600] =	vst v63  }
0x42: {  	_ = 	snop  }
0x43: {  	[tilespmem:s22], [sflag:$0x1] =	stream.indirect.gather [hbm4b:s1+s19], $0x80, s21, s19, $0xb8;
	[tilespmem:$0x1A600] =	vst v63  }
0x44: {  	_ = 	snop  }
0x45: {  	[tilespmem:s24], [sflag:$0x1] =	stream.indirect.gather [hbm4b:s6+s19], $0x80, s23, s19, $0xb8;
	[tilespmem:$0x1A600] =	vst v63  }
0x46: {  	_ = 	snop  }
0x47: {  	[tilespmem:s26], [sflag:$0x1] =	stream.indirect.gather [hbm4b:s6+s19], $0x80, s25, s19, $0xb8;
	[tilespmem:$0x1A600] =	vst v63  }
0x48: {  	[tilespmem:$0x6B00] =	vst v0  }
0x49: {  	[tilespmem:$0x6C00] =	vst v1  }
0x4a: {  	[tilespmem:$0x6D00] =	vst v0  }
0x4b: {  	[tilespmem:$0x6B10] =	vst v0  }
0x4c: {  	[tilespmem:$0x6C10] =	vst v1  }
0x4d: {  	[tilespmem:$0x6D10] =	vst v0  }
0x4e: {  	[tilespmem:$0x6B20] =	vst v0  }
0x4f: {  	[tilespmem:$0x6C20] =	vst v1  }
0x50: {  	[tilespmem:$0x6D20] =	vst v0  }
0x51: {  	[tilespmem:$0x6B30] =	vst v0  }
0x52: {  	[tilespmem:$0x6C30] =	vst v1  }
0x53: {  	[tilespmem:$0x6D30] =	vst v0  }
0x54: {  	[tilespmem:$0x6B40] =	vst v0  }
0x55: {  	[tilespmem:$0x6C40] =	vst v1  }
0x56: {  	[tilespmem:$0x6D40] =	vst v0  }
0x57: {  	[tilespmem:$0x6B50] =	vst v0  }
0x58: {  	[tilespmem:$0x6C50] =	vst v1  }
0x59: {  	[tilespmem:$0x6D50] =	vst v0  }
0x5a: {  	[tilespmem:$0x6B60] =	vst v0  }
0x5b: {  	[tilespmem:$0x6C60] =	vst v1  }
0x5c: {  	[tilespmem:$0x6D60] =	vst v0  }
0x5d: {  	[tilespmem:$0x6B70] =	vst v0  }
0x5e: {  	[tilespmem:$0x6C70] =	vst v1  }
0x5f: {  	[tilespmem:$0x6D70] =	vst v0  }
0x60: {  	[tilespmem:$0x6B80] =	vst v0  }
0x61: {  	[tilespmem:$0x6C80] =	vst v1  }
0x62: {  	[tilespmem:$0x6D80] =	vst v0  }
0x63: {  	[tilespmem:$0x6B90] =	vst v0  }
0x64: {  	[tilespmem:$0x6C90] =	vst v1  }
0x65: {  	[tilespmem:$0x6D90] =	vst v0  }
0x66: {  	[tilespmem:$0x6BA0] =	vst v0  }
0x67: {  	[tilespmem:$0x6CA0] =	vst v1  }
0x68: {  	[tilespmem:$0x6DA0] =	vst v0  }
0x69: {  	[tilespmem:$0x6BB0] =	vst v0  }
0x6a: {  	[tilespmem:$0x6CB0] =	vst v1  }
0x6b: {  	[tilespmem:$0x6DB0] =	vst v0  }
0x6c: {  	[tilespmem:$0x6BC0] =	vst v0  }
0x6d: {  	[tilespmem:$0x6CC0] =	vst v1  }
0x6e: {  	[tilespmem:$0x6DC0] =	vst v0  }
0x6f: {  	_ =	swait.ge [sflag:s28], $0x3400  }
0x70: {  	[sflag:s28] =	ssyncset.done $0x0  }
0x71: {  	[sflag:s28] =	ssyncadd.s32 $0xFFFFCC00  }
0x72: {  	_ =	swait.ge [sflag:s28], $0x3400  }
0x73: {  	[sflag:s28] =	ssyncset.done $0x0  }
0x74: {  	[sflag:s28] =	ssyncadd.s32 $0xFFFFCC00  }
0x75: {  	_ =	swait.ge [sflag:s28], $0x3400  }
0x76: {  	[sflag:s28] =	ssyncset.done $0x0  }
0x77: {  	[sflag:s28] =	ssyncadd.s32 $0xFFFFCC00  }
0x78: {  	_ =	swait.ge [sflag:s28], $0x3400  }
0x79: {  	p0 =	seq.s32 s15, $0x0;
	[sflag:s28] =	ssyncset.done $0x0  }
0x7a: {  	s16 =	simm.s32 @!p0 $0x3;
	[sflag:s28] =	ssyncadd.s32 $0xFFFFCC00  }
0x7b: {  	_ =	swait.ge @!p0 [sflag:s16], $0x6400  }
0x7c: {  	s7 =	rddreg [dreg:$0x6];
	[sflag:s16] =	ssyncset.done @!p0 $0x0  }
0x7d: {  	[sflag:s16] =	ssyncadd.s32 @!p0 $0xFFFF9C00;
	s16 =	sadd.s32 s15, s7  }
0x7e: {  	[hbm4b:s16+s4] =	stream.linear.scatter [tilespmem:s29], [sflag:$0x3], $0x6400, $0x38;
	[tilespmem:$0x1A600] =	vst v63  }
0x7f: {  	_ =	swait.ge [sflag:s30], $0xC8  }
0x80: {  	s8 =	smin.u32 s2, $0x1D;
	s7 =	rddreg [dreg:$0x5]  }
0x81: {  	s7 =	sadd.s32 s8, s7  }
0x82: {  	s7 =	smul.u32 $0x19, s7  }
0x83: {  	[sflag:s30] =	ssyncset.done $0x0  }
0x84: {  	[sflag:s30] =	ssyncadd.s32 $0xFFFFFF38;
	s7 =	sadd.s32 s5, s7  }
0x85: {  	[tilespmem:s17], [sflag:$0x2] =	stream.linear.gather [hbm4b:s7+s4], $0xC8, $0x38;
	[tilespmem:$0x1A600] =	vst v63  }
0x86: {  	v2 =	vld [tilespmem:$0x6900]  }
0x87: {  	v3 =	vld [tilespmem:$0x6910]  }
0x88: {  	v55 =	vld [tilespmem:$0x6920]  }
0x89: {  	v56 =	vld [tilespmem:$0x6930]  }
0x8a: {  	v57 =	vld [tilespmem:$0x6940]  }
0x8b: {  	v58 =	vld [tilespmem:$0x6950];
	v2 =	vshrl.u32 v2, $0x6  }
0x8c: {  	[tilespmem:$0x6A00] =	vst v2;
	v2 =	vshrl.u32 v3, $0x6;
	v3 =	vld [tilespmem:$0x6960]  }
0x8d: {  	v59 =	vld [tilespmem:$0x6970];
	[tilespmem:$0x6A10] =	vst v2;
	v2 =	vshrl.u32 v55, $0x6  }
0x8e: {  	v60 =	vld [tilespmem:$0x6980];
	[tilespmem:$0x6A20] =	vst v2;
	v2 =	vshrl.u32 v56, $0x6  }
0x8f: {  	v61 =	vld [tilespmem:$0x6990];
	[tilespmem:$0x6A30] =	vst v2;
	v2 =	vshrl.u32 v57, $0x6  }
0x90: {  	v62 =	vld [tilespmem:$0x69A0];
	[tilespmem:$0x6A40] =	vst v2;
	v2 =	vshrl.u32 v58, $0x6  }
0x91: {  	[tilespmem:$0x6A50] =	vst v2;
	v2 =	vshrl.u32 v3, $0x6;
	v3 =	vld [tilespmem:$0x69B0]  }
0x92: {  	v63 =	vld [tilespmem:$0x69C0];
	[tilespmem:$0x6A60] =	vst v2;
	v2 =	vshrl.u32 v59, $0x6  }
0x93: {  	[tilespmem:$0x6A70] =	vst v2;
	v2 =	vshrl.u32 v60, $0x6  }
0x94: {  	[tilespmem:$0x6A80] =	vst v2;
	v2 =	vshrl.u32 v61, $0x6  }
0x95: {  	[tilespmem:$0x6A90] =	vst v2;
	v2 =	vshrl.u32 v62, $0x6  }
0x96: {  	[tilespmem:$0x6AA0] =	vst v2;
	v2 =	vshrl.u32 v3, $0x6  }
0x97: {  	[tilespmem:$0x6AB0] =	vst v2;
	v2 =	vshrl.u32 v63, $0x6  }
0x98: {  	[tilespmem:$0x6AC0] =	vst v2  }
0x99: {  	[tilespmem:s20], [sflag:$0x1] =	stream.indirect.gather [hbm4b:s1+s19], $0x80, s18, s19, $0xb8;
	[tilespmem:$0x1A600] =	vst v63  }
0x9a: {  	_ = 	snop  }
0x9b: {  	[tilespmem:s22], [sflag:$0x1] =	stream.indirect.gather [hbm4b:s1+s19], $0x80, s31, s19, $0xb8;
	[tilespmem:$0x1A600] =	vst v63  }
0x9c: {  	_ = 	snop  }
0x9d: {  	[tilespmem:s24], [sflag:$0x1] =	stream.indirect.gather [hbm4b:s6+s19], $0x80, s23, s19, $0xb8;
	[tilespmem:$0x1A600] =	vst v63  }
0x9e: {  	_ = 	snop  }
0x9f: {  	[tilespmem:s26], [sflag:$0x1] =	stream.indirect.gather [hbm4b:s6+s19], $0x80, s25, s19, $0xb8;
	[tilespmem:$0x1A600] =	vst v63  }
0xa0: {  	[tilespmem:$0x6B00] =	vst v0  }
0xa1: {  	[tilespmem:$0x6C00] =	vst v1  }
0xa2: {  	[tilespmem:$0x6D00] =	vst v0  }
0xa3: {  	[tilespmem:$0x6B10] =	vst v0  }
0xa4: {  	[tilespmem:$0x6C10] =	vst v1  }
0xa5: {  	[tilespmem:$0x6D10] =	vst v0  }
0xa6: {  	[tilespmem:$0x6B20] =	vst v0  }
0xa7: {  	[tilespmem:$0x6C20] =	vst v1  }
0xa8: {  	[tilespmem:$0x6D20] =	vst v0  }
0xa9: {  	[tilespmem:$0x6B30] =	vst v0  }
0xaa: {  	[tilespmem:$0x6C30] =	vst v1  }
0xab: {  	[tilespmem:$0x6D30] =	vst v0  }
0xac: {  	[tilespmem:$0x6B40] =	vst v0  }
0xad: {  	[tilespmem:$0x6C40] =	vst v1  }
0xae: {  	[tilespmem:$0x6D40] =	vst v0  }
0xaf: {  	[tilespmem:$0x6B50] =	vst v0  }
0xb0: {  	[tilespmem:$0x6C50] =	vst v1  }
0xb1: {  	[tilespmem:$0x6D50] =	vst v0  }
0xb2: {  	[tilespmem:$0x6B60] =	vst v0  }
0xb3: {  	[tilespmem:$0x6C60] =	vst v1  }
0xb4: {  	[tilespmem:$0x6D60] =	vst v0  }
0xb5: {  	[tilespmem:$0x6B70] =	vst v0  }
0xb6: {  	[tilespmem:$0x6C70] =	vst v1  }
0xb7: {  	[tilespmem:$0x6D70] =	vst v0  }
0xb8: {  	[tilespmem:$0x6B80] =	vst v0  }
0xb9: {  	[tilespmem:$0x6C80] =	vst v1  }
0xba: {  	[tilespmem:$0x6D80] =	vst v0  }
0xbb: {  	[tilespmem:$0x6B90] =	vst v0  }
0xbc: {  	[tilespmem:$0x6C90] =	vst v1  }
0xbd: {  	[tilespmem:$0x6D90] =	vst v0  }
0xbe: {  	[tilespmem:$0x6BA0] =	vst v0  }
0xbf: {  	[tilespmem:$0x6CA0] =	vst v1  }
0xc0: {  	[tilespmem:$0x6DA0] =	vst v0  }
0xc1: {  	[tilespmem:$0x6BB0] =	vst v0  }
0xc2: {  	[tilespmem:$0x6CB0] =	vst v1  }
0xc3: {  	[tilespmem:$0x6DB0] =	vst v0  }
0xc4: {  	[tilespmem:$0x6BC0] =	vst v0  }
0xc5: {  	[tilespmem:$0x6CC0] =	vst v1  }
0xc6: {  	[tilespmem:$0x6DC0] =	vst v0  }
0xc7: {  	_ =	swait.ge [sflag:s28], $0x3400  }
0xc8: {  	[sflag:s28] =	ssyncset.done $0x0  }
0xc9: {  	[sflag:s28] =	ssyncadd.s32 $0xFFFFCC00  }
0xca: {  	_ =	swait.ge [sflag:s28], $0x3400  }
0xcb: {  	[sflag:s28] =	ssyncset.done $0x0  }
0xcc: {  	[sflag:s28] =	ssyncadd.s32 $0xFFFFCC00  }
0xcd: {  	_ =	swait.ge [sflag:s28], $0x3400  }
0xce: {  	[sflag:s28] =	ssyncset.done $0x0  }
0xcf: {  	[sflag:s28] =	ssyncadd.s32 $0xFFFFCC00  }
0xd0: {  	_ =	swait.ge [sflag:s28], $0x3400  }
0xd1: {  	[sflag:s28] =	ssyncset.done $0x0  }
0xd2: {  	[sflag:s28] =	ssyncadd.s32 $0xFFFFCC00  }
0xd3: {  	s15 =	sadd.s32 $0x1900, s15;
	_ =	swait.ge [sflag:s0], $0x6400  }
0xd4: {  	p0 =	sne.s32 s15, $0x19000;
	[sflag:s0] =	ssyncset.done $0x0  }
.Ltmp0:
0xd5: {  	s16 =	sadd.s32 $0xC80, s16;
	[sflag:s0] =	ssyncadd.s32 $0xFFFF9C00;
	(pc) =	sbr.rel @p0 .LBB2_2-.Ltmp0, $4  }
0xd6: {  	[hbm4b:s16+s4] =	stream.linear.scatter [tilespmem:s29], [sflag:$0x3], $0x6400, $0x38;
	[tilespmem:$0x1A600] =	vst v63  }
0xd7: {  	_ =	swait.ge [sflag:s30], $0xC8  }
0xd8: {  	[sflag:s30] =	ssyncset.done $0x0  }
0xd9: {  	s12 =	sadd.s32 $0x32, s12;
	s2 =	sadd.s32 $0x2, s2;
	[sflag:s30] =	ssyncadd.s32 $0xFFFFFF38  }
0xda: {  	s3 =	sadd.s32 $0x1, s3  }
0xdb: {  	p0 =	sne.s32 s3, s11  }
.Ltmp1:
0xdc: {  	_ = 	snop;
	(pc) =	sbr.rel @p0 .LBB2_1-.Ltmp1, $4  }
0xdd: {  	_ = 	snop  }
0xde: {  	_ =	swait.ge [sflag:s0], $0x6400  }
0xdf: {  	[sflag:s0] =	ssyncset.done $0x0  }
0xe0: {  	[sflag:s0] =	ssyncadd.s32 $0xFFFF9C00  }
0xe1: {  	_ =	sfence.sel $0x180000  }
0xe2: {  	[bflag:$0x0] =	sbarrier.arrive $0xFFFF  }
0xe3: {  	_ =	strace $0x90000047  }
0xe4: {  	s0 =	stileid.u32;
	[bflag:$0x2] =	sbarrier.arrive $0xFFFF  }
0xe5: {  	p0 =	sne.s32 s0, $0x0;
	s0 =	rddreg [dreg:$0x4]  }
0xe6: {  	s0 =	sadd.s32 @!p0 $0x100000, s0  }
0xe7: {  	[sflag:s0] =	ssyncadd.tile.s32 @!p0 $0x1;
	_ =	shalt  }
.Lfunc_end2:
_tile_overlayer_lowered:
.L_overlay_start_2:
0xe8: {  	(tag) =	ssettag $0x2  }
0xe9: {  	s0 =	rddreg [dreg:$0x0];
	s2 =	stileid.u32  }
0xea: {  	s1 =	rddreg [dreg:$0x1];
	p0 =	sne.s32 s2, $0x0  }
0xeb: {  	s3 =	rddreg [dreg:$0x2];
	[bflag:$0x3] =	sbarrier.arrive $0xFFFF;
	s2 =	simm.s32 @!p0 $0x1C04  }
0xec: {  	[timem:s3], [sflag:s2] =	dma.local @!p0 [hbm:s0], s1  }
0xed: {  	s0 =	simm.s32 @!p0 $0x4  }
0xee: {  	_ =	swait.ge @!p0 [sflag:s0], s1  }
0xef: {  	s1 =	ssub.s32 @!p0 $0x0, s1;
	[sflag:s0] =	ssyncset.done @!p0 $0x0  }
0xf0: {  	[sflag:s0] =	ssyncadd.s32 @!p0 s1  }
0xf1: {  	[bflag:$0x3] =	sbarrier.arrive $0xFFFF  }
0xf2: {  	_ =	shalt  }

</sc_bundles>
